<compile_context>
chip_gen: v7x
topology: tpu7x:2x2x1
jax: 0.10.2.dev20260603
libtpu: 0.0.44.dev20260713+nightly
codegen_flags: <defaults>
</compile_context>

<pallas_src>
import functools

import jax
import jax.numpy as jnp
from jax import lax
from jax.experimental import pallas as pl
from jax.experimental.pallas import tpu as pltpu
from jax.experimental.pallas import tpu_sc as plsc

K = 5
NUM_ROWS = 128
NUM_COLS = 32768
NC = 2
NS = 16
NW = NC * NS
RPW = NUM_ROWS // NW
L = 16
CH = 4096
NCH = NUM_COLS // CH
VPC = CH // L

_MESH = plsc.VectorSubcoreMesh(
    core_axis_name="c", subcore_axis_name="s", num_cores=NC, num_subcores=NS)


def _sc_body(x_hbm, label_hbm, out_hbm, lab_v, v_v, buf_v, flags_v, sem):
    wid = lax.axis_index("s") * NC + lax.axis_index("c")
    lane = lax.iota(jnp.int32, L)
    rows16 = jnp.minimum(wid * RPW + lane, NUM_ROWS - 1)
    pltpu.async_copy(label_hbm.at[rows16], lab_v, sem).wait()
    lab16 = lab_v[...]

    flags16 = jnp.zeros((L,), jnp.float32)
    neg_inf = jnp.float32(-jnp.inf)

    for r in range(RPW):
        sel = lane == r
        l_r = jnp.max(jnp.where(sel, lab16, -1))
        row = wid * RPW + r
        c0 = (l_r // L) * L
        pltpu.sync_copy(x_hbm.at[row, pl.ds(c0, L)], v_v)
        v_r = jnp.max(jnp.where(lane == l_r - c0, v_v[...], neg_inf))
        vsplat = jnp.full((L,), v_r)

        def chunk_scan(k, acc, _buf=buf_v, _vs=vsplat):
            x16 = _buf[pl.ds(k * L, L)]
            return acc + jnp.where(
                x16 > _vs, 65536, jnp.where(x16 == _vs, 1, 0))

        def cond(carry):
            c, acc = carry
            packed = jnp.sum(acc)
            return jnp.logical_and(c < NCH, (packed >> 16) < K)

        def body(carry, _row=row, _scan=chunk_scan):
            c, acc = carry
            pltpu.sync_copy(x_hbm.at[_row, pl.ds(c * CH, CH)], buf_v)
            acc = lax.fori_loop(0, VPC, _scan, acc, unroll=8)
            return c + 1, acc

        c_fin, acc = lax.while_loop(
            cond, body, (jnp.int32(0), jnp.zeros((L,), jnp.int32)))
        packed = jnp.sum(acc)
        gt = packed >> 16
        eq = packed & 0xFFFF

        def tie_pass(_vs=vsplat, _row=row, _l=l_r):
            def tbody(c, cnt):
                pltpu.sync_copy(x_hbm.at[_row, pl.ds(c * CH, CH)], buf_v)

                def tscan(k, cnt2, _c=c):
                    x16 = buf_v[pl.ds(k * L, L)]
                    pos = _c * CH + k * L + lane
                    hit = jnp.logical_and(x16 == _vs, pos < _l)
                    return cnt2 + jnp.where(hit, 1, 0)

                return lax.fori_loop(0, VPC, tscan, cnt)

            cnt = lax.fori_loop(0, NCH, tbody, jnp.zeros((L,), jnp.int32))
            return jnp.sum(cnt)

        need_ties = jnp.logical_and(eq != 1, gt < K)
        eq_before = lax.cond(need_ties, tie_pass, lambda: jnp.int32(0))
        correct = ((gt + eq_before) < K).astype(jnp.float32)
        flags16 = jnp.where(sel, correct, flags16)

    flags_v[...] = flags16
    pltpu.sync_copy(flags_v, out_hbm.at[wid])


_sc_count = functools.partial(
    pl.kernel,
    out_type=jax.ShapeDtypeStruct((NW, L), jnp.float32),
    mesh=_MESH,
    compiler_params=pltpu.CompilerParams(needs_layout_passes=False),
    scratch_types=[
        pltpu.VMEM((L,), jnp.int32),
        pltpu.VMEM((L,), jnp.float32),
        pltpu.VMEM((CH,), jnp.float32),
        pltpu.VMEM((L,), jnp.float32),
        pltpu.SemaphoreType.DMA,
    ],
)(_sc_body)


def _mean_body(flags_ref, out_ref):
    out_ref[...] = (jnp.sum(flags_ref[...]) * (1.0 / NUM_ROWS)).reshape(1, 1)


def kernel(output, label):
    flags = _sc_count(output, label)
    acc = pl.pallas_call(
        _mean_body,
        out_shape=jax.ShapeDtypeStruct((1, 1), jnp.float32),
    )(flags)
    return acc[0, 0]

# --- scband reference (transcript-rebuilt; emitter-appended) ---
"""Pipeline reference for scband-topk-accuracy-24885040513681 (READ-ONLY COPY).

The authoritative reference and input builder live on the scoring server;
editing this copy changes nothing except your own understanding.
"""

import jax, jax.numpy as jnp
import numpy as np

K = 5

def setup_inputs(seed: int = 0) -> dict:
    key = jax.random.key(seed)
    k1, k2 = jax.random.split(key)
    output = jax.random.normal(k1, (128, 32768), dtype=jnp.float32)
    label = jax.random.randint(k2, (128,), 0, 32768, dtype=jnp.int32)
    return {"output": output, "label": label}

def reference(output, label):
    # topk over dim=1, largest, sorted (lax.top_k returns sorted descending)
    _, pred = jax.lax.top_k(output, K)  # [B, K] indices
    # label.unsqueeze(1).expand_as(pred); pred.eq(label)
    correct = (pred == label[:, None]).astype(jnp.float32)  # [B, K]
    # for the single k: correct[:, :k].sum(1).mean()
    accu = correct[:, :K].sum(axis=1).mean()
    return accu

if __name__ == "__main__":
    import jax
    _d = setup_inputs()
    print(jax.jit(kernel)(*tuple(_d.values())))

</pallas_src>

<mosaic_0001>
#map = affine_map<(d0, d1) -> (0, 0)>
#map1 = affine_map<(d0, d1) -> (0)>
module attributes {stable_mosaic.version = 14 : i64} {
  func.func @_sc_body(%arg0: i32, %arg1: i32, %arg2: memref<128x32768xf32, #tpu.memory_space<hbm>>, %arg3: memref<128xi32, #tpu.memory_space<hbm>>, %arg4: memref<32x16xf32, #tpu.memory_space<hbm>>, %arg5: memref<16xi32, #tpu.memory_space<vmem>>, %arg6: memref<16xf32, #tpu.memory_space<vmem>>, %arg7: memref<4096xf32, #tpu.memory_space<vmem>>, %arg8: memref<16xf32, #tpu.memory_space<vmem>>, %arg9: memref<!tpu.dma_semaphore, #tpu.memory_space<semaphore_mem>>) attributes {dimension_semantics = [#tpu.dimension_semantics<core_parallel>, #tpu.dimension_semantics<subcore_parallel>], iteration_bounds = array<i64: 2, 16>, scalar_prefetch = 0 : i64, scratch_operands = 5 : i64, tpu.core_type = #tpu.core_type<sc_vector_subcore>, window_params = [{transform_indices = #map}, {transform_indices = #map1}, {transform_indices = #map}]} {
    %mul3A = arith.constant 2 : i32
    %mul3A_0 = arith.muli %arg1, %mul3A : i32
    %add3A = arith.addi %mul3A_0, %arg0 : i32
    %iota3A = tpu.iota {dimensions = array<i32: 0>} : vector<16xi32>
    %mul3A_1 = arith.constant 4 : i32
    %mul3A_2 = arith.muli %add3A, %mul3A_1 : i32
    %add3A_3 = vector.broadcast %mul3A_2 : i32 to vector<16xi32>
    %add3A_4 = arith.addi %add3A_3, %iota3A : vector<16xi32>
    %min3A = arith.constant 127 : i32
    %min3A_5 = vector.broadcast %min3A : i32 to vector<16xi32>
    %min3A_6 = arith.minsi %add3A_4, %min3A_5 : vector<16xi32>
    %dma_start3A = arith.constant 0 : i32
    %dma_start3A_7 = tpu.memref_slice %arg3[%dma_start3A] : memref<128xi32, #tpu.memory_space<hbm>> -> memref<128xi32, #tpu.memory_space<hbm>>
    tpu.enqueue_indirect_dma source(%dma_start3A_7 : memref<128xi32, #tpu.memory_space<hbm>>) target(%arg5 : memref<16xi32, #tpu.memory_space<vmem>>) offsets(%min3A_6 : vector<16xi32>) semaphore(%arg9 : memref<!tpu.dma_semaphore, #tpu.memory_space<semaphore_mem>>)
    %dma_wait3A = arith.constant 0 : i32
    %dma_wait3A_8 = tpu.memref_slice %arg3[%dma_wait3A] : memref<128xi32, #tpu.memory_space<hbm>> -> memref<128xi32, #tpu.memory_space<hbm>>
    tpu.wait_indirect_dma semaphore(%arg9 : memref<!tpu.dma_semaphore, #tpu.memory_space<semaphore_mem>>) src(%dma_wait3A_8 : memref<128xi32, #tpu.memory_space<hbm>>) dst(%arg5 : memref<16xi32, #tpu.memory_space<vmem>>)
    %get3A = arith.constant 0 : index
    %get3A_9 = tpu.vector_load %arg5[%get3A] {strides = array<i32>} : memref<16xi32, #tpu.memory_space<vmem>>, vector<16xi32>,
    %broadcast_in_dim3A = arith.constant 0.000000e+00 : f32
    %broadcast_in_dim3A_10 = vector.broadcast %broadcast_in_dim3A : f32 to vector<16xf32>
    %eq3A = arith.constant 0 : i32
    %eq3A_11 = vector.broadcast %eq3A : i32 to vector<16xi32>
    %eq3A_12 = arith.cmpi eq, %iota3A, %eq3A_11 : vector<16xi32>
    %jit3A = arith.constant -1 : i32
    %broadcast_in_dim3A_13 = vector.broadcast %jit3A : i32 to vector<16xi32>
    %select_n3A = arith.select %eq3A_12, %get3A_9, %broadcast_in_dim3A_13 : vector<16xi1>, vector<16xi32>
    %reduce_max3A = arith.constant true
    %reduce_max3A_14 = vector.broadcast %reduce_max3A : i1 to vector<16xi1>
    %reduce_max3A_15 = arith.constant -2147483648 : i32
    %reduce_max3A_16 = vector.broadcast %reduce_max3A_15 : i32 to vector<16xi32>
    %reduce_max3A_17 = arith.xori %select_n3A, %reduce_max3A_16 : vector<16xi32>
    %reduce_max3A_18 = tpu.scan <max>, %reduce_max3A_17 masked %reduce_max3A_14 : vector<16xi32>, vector<16xi1> -> vector<16xi32>
    %reduce_max3A_19 = arith.xori %reduce_max3A_18, %reduce_max3A_16 : vector<16xi32>
    %reduce_max3A_20 = vector.extract %reduce_max3A_19[15] : i32 from vector<16xi32>
    %mul3A_21 = arith.constant 4 : i32
    %mul3A_22 = arith.muli %add3A, %mul3A_21 : i32
    %add3A_23 = arith.constant 0 : i32
    %add3A_24 = arith.addi %mul3A_22, %add3A_23 : i32
    %jit3A_25 = arith.constant 16 : i32
    %div3A = arith.divsi %reduce_max3A_20, %jit3A_25 : i32
    %sign3A = arith.constant 0 : i32
    %sign3A_26 = arith.cmpi sgt, %reduce_max3A_20, %sign3A : i32
    %sign3A_27 = arith.extui %sign3A_26 : i1 to i32
    %sign3A_28 = arith.constant 0 : i32
    %sign3A_29 = arith.cmpi slt, %reduce_max3A_20, %sign3A_28 : i32
    %sign3A_30 = arith.extui %sign3A_29 : i1 to i32
    %sign3A_31 = arith.subi %sign3A_27, %sign3A_30 : i32
    %sign3A_32 = arith.constant 0 : i32
    %sign3A_33 = arith.cmpi sgt, %jit3A_25, %sign3A_32 : i32
    %sign3A_34 = arith.extui %sign3A_33 : i1 to i32
    %sign3A_35 = arith.constant 0 : i32
    %sign3A_36 = arith.cmpi slt, %jit3A_25, %sign3A_35 : i32
    %sign3A_37 = arith.extui %sign3A_36 : i1 to i32
    %sign3A_38 = arith.subi %sign3A_34, %sign3A_37 : i32
    %ne3A = arith.cmpi ne, %sign3A_31, %sign3A_38 : i32
    %rem3A = arith.remsi %reduce_max3A_20, %jit3A_25 : i32
    %ne3A_39 = arith.constant 0 : i32
    %ne3A_40 = arith.cmpi ne, %rem3A, %ne3A_39 : i32
    %and3A = arith.andi %ne3A, %ne3A_40 : i1
    %sub3A = arith.constant 1 : i32
    %sub3A_41 = arith.subi %div3A, %sub3A : i32
    %select_n3A_42 = arith.select %and3A, %sub3A_41, %div3A : i32
    %mul3A_43 = arith.constant 16 : i32
    %mul3A_44 = arith.muli %select_n3A_42, %mul3A_43 : i32
    "tpu.region"() ({
      %run_scoped3A = tpu.sem_alloc : memref<!tpu.dma_semaphore, #tpu.memory_space<semaphore_mem>>
      %dma_start3A_336 = tpu.memref_slice %arg2[%add3A_24, %mul3A_44] : memref<128x32768xf32, #tpu.memory_space<hbm>> -> memref<1x16xf32, #tpu.memory_space<hbm>>
      %dma_start3A_337 = tpu.memref_squeeze %dma_start3A_336 : memref<1x16xf32, #tpu.memory_space<hbm>> -> memref<16xf32, #tpu.memory_space<hbm>>
      %dma_start3A_338 = tpu.memref_slice %arg2[%add3A_24, %mul3A_44] : memref<128x32768xf32, #tpu.memory_space<hbm>> -> memref<1x16xf32, #tpu.memory_space<hbm>>
      %dma_start3A_339 = tpu.memref_squeeze %dma_start3A_338 : memref<1x16xf32, #tpu.memory_space<hbm>> -> memref<16xf32, #tpu.memory_space<hbm>>
      tpu.enqueue_dma source(%dma_start3A_339 : memref<16xf32, #tpu.memory_space<hbm>>) target(%arg6 : memref<16xf32, #tpu.memory_space<vmem>>) target_semaphore(%run_scoped3A : memref<!tpu.dma_semaphore, #tpu.memory_space<semaphore_mem>>)
      %dma_wait3A_340 = tpu.memref_slice %arg2[%add3A_24, %mul3A_44] : memref<128x32768xf32, #tpu.memory_space<hbm>> -> memref<1x16xf32, #tpu.memory_space<hbm>>
      %dma_wait3A_341 = tpu.memref_squeeze %dma_wait3A_340 : memref<1x16xf32, #tpu.memory_space<hbm>> -> memref<16xf32, #tpu.memory_space<hbm>>
      %dma_wait3A_342 = tpu.memref_slice %arg2[%add3A_24, %mul3A_44] : memref<128x32768xf32, #tpu.memory_space<hbm>> -> memref<1x16xf32, #tpu.memory_space<hbm>>
      %dma_wait3A_343 = tpu.memref_squeeze %dma_wait3A_342 : memref<1x16xf32, #tpu.memory_space<hbm>> -> memref<16xf32, #tpu.memory_space<hbm>>
      tpu.wait_dma2 semaphore(%run_scoped3A : memref<!tpu.dma_semaphore, #tpu.memory_space<semaphore_mem>>) src(%dma_wait3A_343 : memref<16xf32, #tpu.memory_space<hbm>>) dst(%arg6 : memref<16xf32, #tpu.memory_space<vmem>>)
      tpu.yield
    }) : () -> ()
    %sub3A_45 = arith.subi %reduce_max3A_20, %mul3A_44 : i32
    %eq3A_46 = vector.broadcast %sub3A_45 : i32 to vector<16xi32>
    %eq3A_47 = arith.cmpi eq, %iota3A, %eq3A_46 : vector<16xi32>
    %get3A_48 = arith.constant 0 : index
    %get3A_49 = tpu.vector_load %arg6[%get3A_48] {strides = array<i32>} : memref<16xf32, #tpu.memory_space<vmem>>, vector<16xf32>,
    %jit3A_50 = arith.constant 0xFF800000 : f32
    %broadcast_in_dim3A_51 = vector.broadcast %jit3A_50 : f32 to vector<16xf32>
    %select_n3A_52 = arith.select %eq3A_47, %get3A_49, %broadcast_in_dim3A_51 : vector<16xi1>, vector<16xf32>
    %reduce_max3A_53 = arith.constant true
    %reduce_max3A_54 = vector.broadcast %reduce_max3A_53 : i1 to vector<16xi1>
    %reduce_max3A_55 = tpu.scan <max>, %select_n3A_52 masked %reduce_max3A_54 : vector<16xf32>, vector<16xi1> -> vector<16xf32>
    %reduce_max3A_56 = vector.extract %reduce_max3A_55[15] : f32 from vector<16xf32>
    %broadcast_in_dim3A_57 = vector.broadcast %reduce_max3A_56 : f32 to vector<16xf32>
    %broadcast_in_dim3A_58 = arith.constant 0 : i32
    %broadcast_in_dim3A_59 = vector.broadcast %broadcast_in_dim3A_58 : i32 to vector<16xi32>
    %while3A = arith.constant 0 : i32
    %while3A_60:2 = scf.while (%while3A_336 = %while3A, %while3A_337 = %broadcast_in_dim3A_59) : (i32, vector<16xi32>) -> (i32, vector<16xi32>) {
      %reduce_sum3A_338 = arith.constant true
      %reduce_sum3A_339 = vector.broadcast %reduce_sum3A_338 : i1 to vector<16xi1>
      %reduce_sum3A_340 = tpu.scan <sum>, %while3A_337 masked %reduce_sum3A_339 : vector<16xi32>, vector<16xi1> -> vector<16xi32>
      %reduce_sum3A_341 = vector.extract %reduce_sum3A_340[15] : i32 from vector<16xi32>
      %lt3A_342 = arith.constant 8 : i32
      %lt3A_343 = arith.cmpi slt, %while3A_336, %lt3A_342 : i32
      %shift_right_arithmetic3A_344 = arith.constant 16 : i32
      %shift_right_arithmetic3A_345 = arith.shrsi %reduce_sum3A_341, %shift_right_arithmetic3A_344 : i32
      %lt3A_346 = arith.constant 5 : i32
      %lt3A_347 = arith.cmpi slt, %shift_right_arithmetic3A_345, %lt3A_346 : i32
      %and3A_348 = arith.andi %lt3A_343, %lt3A_347 : i1
      scf.condition(%and3A_348) %while3A_336, %while3A_337 : i32, vector<16xi32>
    } do {
    ^bb0(%while3A_336: i32, %while3A_337: vector<16xi32>):
      %mul3A_338 = arith.constant 4096 : i32
      %mul3A_339 = arith.muli %while3A_336, %mul3A_338 : i32
      "tpu.region"() ({
        %run_scoped3A = tpu.sem_alloc : memref<!tpu.dma_semaphore, #tpu.memory_space<semaphore_mem>>
        %dma_start3A_347 = tpu.memref_slice %arg2[%add3A_24, %mul3A_339] : memref<128x32768xf32, #tpu.memory_space<hbm>> -> memref<1x4096xf32, #tpu.memory_space<hbm>>
        %dma_start3A_348 = tpu.memref_squeeze %dma_start3A_347 : memref<1x4096xf32, #tpu.memory_space<hbm>> -> memref<4096xf32, #tpu.memory_space<hbm>>
        %dma_start3A_349 = tpu.memref_slice %arg2[%add3A_24, %mul3A_339] : memref<128x32768xf32, #tpu.memory_space<hbm>> -> memref<1x4096xf32, #tpu.memory_space<hbm>>
        %dma_start3A_350 = tpu.memref_squeeze %dma_start3A_349 : memref<1x4096xf32, #tpu.memory_space<hbm>> -> memref<4096xf32, #tpu.memory_space<hbm>>
        tpu.enqueue_dma source(%dma_start3A_350 : memref<4096xf32, #tpu.memory_space<hbm>>) target(%arg7 : memref<4096xf32, #tpu.memory_space<vmem>>) target_semaphore(%run_scoped3A : memref<!tpu.dma_semaphore, #tpu.memory_space<semaphore_mem>>)
        %dma_wait3A_351 = tpu.memref_slice %arg2[%add3A_24, %mul3A_339] : memref<128x32768xf32, #tpu.memory_space<hbm>> -> memref<1x4096xf32, #tpu.memory_space<hbm>>
        %dma_wait3A_352 = tpu.memref_squeeze %dma_wait3A_351 : memref<1x4096xf32, #tpu.memory_space<hbm>> -> memref<4096xf32, #tpu.memory_space<hbm>>
        %dma_wait3A_353 = tpu.memref_slice %arg2[%add3A_24, %mul3A_339] : memref<128x32768xf32, #tpu.memory_space<hbm>> -> memref<1x4096xf32, #tpu.memory_space<hbm>>
        %dma_wait3A_354 = tpu.memref_squeeze %dma_wait3A_353 : memref<1x4096xf32, #tpu.memory_space<hbm>> -> memref<4096xf32, #tpu.memory_space<hbm>>
        tpu.wait_dma2 semaphore(%run_scoped3A : memref<!tpu.dma_semaphore, #tpu.memory_space<semaphore_mem>>) src(%dma_wait3A_354 : memref<4096xf32, #tpu.memory_space<hbm>>) dst(%arg7 : memref<4096xf32, #tpu.memory_space<vmem>>)
        tpu.yield
      }) : () -> ()
      %scan3A = arith.constant 0 : i32
      %scan3A_340 = arith.constant 256 : i32
      %scan3A_341 = arith.addi %scan3A, %scan3A_340 : i32
      %scan3A_342 = arith.constant 8 : i32
      %scan3A_343 = scf.for %scan3A_347 = %scan3A to %scan3A_341 step %scan3A_342 iter_args(%scan3A_348 = %while3A_337) -> (vector<16xi32>)  : i32 {
        %mul3A_349 = arith.constant 16 : i32
        %mul3A_350 = arith.muli %scan3A_347, %mul3A_349 : i32
        %get3A_351 = arith.index_cast %mul3A_350 : i32 to index
        %get3A_352 = tpu.vector_load %arg7[%get3A_351] {strides = array<i32>} : memref<4096xf32, #tpu.memory_space<vmem>>, vector<16xf32>,
        %gt3A = arith.cmpf ogt, %get3A_352, %broadcast_in_dim3A_57 : vector<16xf32>
        %eq3A_353 = arith.cmpf oeq, %get3A_352, %broadcast_in_dim3A_57 : vector<16xf32>
        %jit3A_354 = arith.constant 1 : i32
        %jit3A_355 = arith.constant 0 : i32
        %broadcast_in_dim3A_356 = vector.broadcast %jit3A_354 : i32 to vector<16xi32>
        %broadcast_in_dim3A_357 = vector.broadcast %jit3A_355 : i32 to vector<16xi32>
        %select_n3A_358 = arith.select %eq3A_353, %broadcast_in_dim3A_356, %broadcast_in_dim3A_357 : vector<16xi1>, vector<16xi32>
        %jit3A_359 = arith.constant 65536 : i32
        %broadcast_in_dim3A_360 = vector.broadcast %jit3A_359 : i32 to vector<16xi32>
        %select_n3A_361 = arith.select %gt3A, %broadcast_in_dim3A_360, %select_n3A_358 : vector<16xi1>, vector<16xi32>
        %add3A_362 = arith.addi %scan3A_348, %select_n3A_361 : vector<16xi32>
        %scan3A_363 = arith.constant 1 : i32
        %scan3A_364 = arith.addi %scan3A_347, %scan3A_363 : i32
        %mul3A_365 = arith.constant 16 : i32
        %mul3A_366 = arith.muli %scan3A_364, %mul3A_365 : i32
        %get3A_367 = arith.index_cast %mul3A_366 : i32 to index
        %get3A_368 = tpu.vector_load %arg7[%get3A_367] {strides = array<i32>} : memref<4096xf32, #tpu.memory_space<vmem>>, vector<16xf32>,
        %gt3A_369 = arith.cmpf ogt, %get3A_368, %broadcast_in_dim3A_57 : vector<16xf32>
        %eq3A_370 = arith.cmpf oeq, %get3A_368, %broadcast_in_dim3A_57 : vector<16xf32>
        %jit3A_371 = arith.constant 1 : i32
        %jit3A_372 = arith.constant 0 : i32
        %broadcast_in_dim3A_373 = vector.broadcast %jit3A_371 : i32 to vector<16xi32>
        %broadcast_in_dim3A_374 = vector.broadcast %jit3A_372 : i32 to vector<16xi32>
        %select_n3A_375 = arith.select %eq3A_370, %broadcast_in_dim3A_373, %broadcast_in_dim3A_374 : vector<16xi1>, vector<16xi32>
        %jit3A_376 = arith.constant 65536 : i32
        %broadcast_in_dim3A_377 = vector.broadcast %jit3A_376 : i32 to vector<16xi32>
        %select_n3A_378 = arith.select %gt3A_369, %broadcast_in_dim3A_377, %select_n3A_375 : vector<16xi1>, vector<16xi32>
        %add3A_379 = arith.addi %add3A_362, %select_n3A_378 : vector<16xi32>
        %scan3A_380 = arith.constant 2 : i32
        %scan3A_381 = arith.addi %scan3A_347, %scan3A_380 : i32
        %mul3A_382 = arith.constant 16 : i32
        %mul3A_383 = arith.muli %scan3A_381, %mul3A_382 : i32
        %get3A_384 = arith.index_cast %mul3A_383 : i32 to index
        %get3A_385 = tpu.vector_load %arg7[%get3A_384] {strides = array<i32>} : memref<4096xf32, #tpu.memory_space<vmem>>, vector<16xf32>,
        %gt3A_386 = arith.cmpf ogt, %get3A_385, %broadcast_in_dim3A_57 : vector<16xf32>
        %eq3A_387 = arith.cmpf oeq, %get3A_385, %broadcast_in_dim3A_57 : vector<16xf32>
        %jit3A_388 = arith.constant 1 : i32
        %jit3A_389 = arith.constant 0 : i32
        %broadcast_in_dim3A_390 = vector.broadcast %jit3A_388 : i32 to vector<16xi32>
        %broadcast_in_dim3A_391 = vector.broadcast %jit3A_389 : i32 to vector<16xi32>
        %select_n3A_392 = arith.select %eq3A_387, %broadcast_in_dim3A_390, %broadcast_in_dim3A_391 : vector<16xi1>, vector<16xi32>
        %jit3A_393 = arith.constant 65536 : i32
        %broadcast_in_dim3A_394 = vector.broadcast %jit3A_393 : i32 to vector<16xi32>
        %select_n3A_395 = arith.select %gt3A_386, %broadcast_in_dim3A_394, %select_n3A_392 : vector<16xi1>, vector<16xi32>
        %add3A_396 = arith.addi %add3A_379, %select_n3A_395 : vector<16xi32>
        %scan3A_397 = arith.constant 3 : i32
        %scan3A_398 = arith.addi %scan3A_347, %scan3A_397 : i32
        %mul3A_399 = arith.constant 16 : i32
        %mul3A_400 = arith.muli %scan3A_398, %mul3A_399 : i32
        %get3A_401 = arith.index_cast %mul3A_400 : i32 to index
        %get3A_402 = tpu.vector_load %arg7[%get3A_401] {strides = array<i32>} : memref<4096xf32, #tpu.memory_space<vmem>>, vector<16xf32>,
        %gt3A_403 = arith.cmpf ogt, %get3A_402, %broadcast_in_dim3A_57 : vector<16xf32>
        %eq3A_404 = arith.cmpf oeq, %get3A_402, %broadcast_in_dim3A_57 : vector<16xf32>
        %jit3A_405 = arith.constant 1 : i32
        %jit3A_406 = arith.constant 0 : i32
        %broadcast_in_dim3A_407 = vector.broadcast %jit3A_405 : i32 to vector<16xi32>
        %broadcast_in_dim3A_408 = vector.broadcast %jit3A_406 : i32 to vector<16xi32>
        %select_n3A_409 = arith.select %eq3A_404, %broadcast_in_dim3A_407, %broadcast_in_dim3A_408 : vector<16xi1>, vector<16xi32>
        %jit3A_410 = arith.constant 65536 : i32
        %broadcast_in_dim3A_411 = vector.broadcast %jit3A_410 : i32 to vector<16xi32>
        %select_n3A_412 = arith.select %gt3A_403, %broadcast_in_dim3A_411, %select_n3A_409 : vector<16xi1>, vector<16xi32>
        %add3A_413 = arith.addi %add3A_396, %select_n3A_412 : vector<16xi32>
        %scan3A_414 = arith.constant 4 : i32
        %scan3A_415 = arith.addi %scan3A_347, %scan3A_414 : i32
        %mul3A_416 = arith.constant 16 : i32
        %mul3A_417 = arith.muli %scan3A_415, %mul3A_416 : i32
        %get3A_418 = arith.index_cast %mul3A_417 : i32 to index
        %get3A_419 = tpu.vector_load %arg7[%get3A_418] {strides = array<i32>} : memref<4096xf32, #tpu.memory_space<vmem>>, vector<16xf32>,
        %gt3A_420 = arith.cmpf ogt, %get3A_419, %broadcast_in_dim3A_57 : vector<16xf32>
        %eq3A_421 = arith.cmpf oeq, %get3A_419, %broadcast_in_dim3A_57 : vector<16xf32>
        %jit3A_422 = arith.constant 1 : i32
        %jit3A_423 = arith.constant 0 : i32
        %broadcast_in_dim3A_424 = vector.broadcast %jit3A_422 : i32 to vector<16xi32>
        %broadcast_in_dim3A_425 = vector.broadcast %jit3A_423 : i32 to vector<16xi32>
        %select_n3A_426 = arith.select %eq3A_421, %broadcast_in_dim3A_424, %broadcast_in_dim3A_425 : vector<16xi1>, vector<16xi32>
        %jit3A_427 = arith.constant 65536 : i32
        %broadcast_in_dim3A_428 = vector.broadcast %jit3A_427 : i32 to vector<16xi32>
        %select_n3A_429 = arith.select %gt3A_420, %broadcast_in_dim3A_428, %select_n3A_426 : vector<16xi1>, vector<16xi32>
        %add3A_430 = arith.addi %add3A_413, %select_n3A_429 : vector<16xi32>
        %scan3A_431 = arith.constant 5 : i32
        %scan3A_432 = arith.addi %scan3A_347, %scan3A_431 : i32
        %mul3A_433 = arith.constant 16 : i32
        %mul3A_434 = arith.muli %scan3A_432, %mul3A_433 : i32
        %get3A_435 = arith.index_cast %mul3A_434 : i32 to index
        %get3A_436 = tpu.vector_load %arg7[%get3A_435] {strides = array<i32>} : memref<4096xf32, #tpu.memory_space<vmem>>, vector<16xf32>,
        %gt3A_437 = arith.cmpf ogt, %get3A_436, %broadcast_in_dim3A_57 : vector<16xf32>
        %eq3A_438 = arith.cmpf oeq, %get3A_436, %broadcast_in_dim3A_57 : vector<16xf32>
        %jit3A_439 = arith.constant 1 : i32
        %jit3A_440 = arith.constant 0 : i32
        %broadcast_in_dim3A_441 = vector.broadcast %jit3A_439 : i32 to vector<16xi32>
        %broadcast_in_dim3A_442 = vector.broadcast %jit3A_440 : i32 to vector<16xi32>
        %select_n3A_443 = arith.select %eq3A_438, %broadcast_in_dim3A_441, %broadcast_in_dim3A_442 : vector<16xi1>, vector<16xi32>
        %jit3A_444 = arith.constant 65536 : i32
        %broadcast_in_dim3A_445 = vector.broadcast %jit3A_444 : i32 to vector<16xi32>
        %select_n3A_446 = arith.select %gt3A_437, %broadcast_in_dim3A_445, %select_n3A_443 : vector<16xi1>, vector<16xi32>
        %add3A_447 = arith.addi %add3A_430, %select_n3A_446 : vector<16xi32>
        %scan3A_448 = arith.constant 6 : i32
        %scan3A_449 = arith.addi %scan3A_347, %scan3A_448 : i32
        %mul3A_450 = arith.constant 16 : i32
        %mul3A_451 = arith.muli %scan3A_449, %mul3A_450 : i32
        %get3A_452 = arith.index_cast %mul3A_451 : i32 to index
        %get3A_453 = tpu.vector_load %arg7[%get3A_452] {strides = array<i32>} : memref<4096xf32, #tpu.memory_space<vmem>>, vector<16xf32>,
        %gt3A_454 = arith.cmpf ogt, %get3A_453, %broadcast_in_dim3A_57 : vector<16xf32>
        %eq3A_455 = arith.cmpf oeq, %get3A_453, %broadcast_in_dim3A_57 : vector<16xf32>
        %jit3A_456 = arith.constant 1 : i32
        %jit3A_457 = arith.constant 0 : i32
        %broadcast_in_dim3A_458 = vector.broadcast %jit3A_456 : i32 to vector<16xi32>
        %broadcast_in_dim3A_459 = vector.broadcast %jit3A_457 : i32 to vector<16xi32>
        %select_n3A_460 = arith.select %eq3A_455, %broadcast_in_dim3A_458, %broadcast_in_dim3A_459 : vector<16xi1>, vector<16xi32>
        %jit3A_461 = arith.constant 65536 : i32
        %broadcast_in_dim3A_462 = vector.broadcast %jit3A_461 : i32 to vector<16xi32>
        %select_n3A_463 = arith.select %gt3A_454, %broadcast_in_dim3A_462, %select_n3A_460 : vector<16xi1>, vector<16xi32>
        %add3A_464 = arith.addi %add3A_447, %select_n3A_463 : vector<16xi32>
        %scan3A_465 = arith.constant 7 : i32
        %scan3A_466 = arith.addi %scan3A_347, %scan3A_465 : i32
        %mul3A_467 = arith.constant 16 : i32
        %mul3A_468 = arith.muli %scan3A_466, %mul3A_467 : i32
        %get3A_469 = arith.index_cast %mul3A_468 : i32 to index
        %get3A_470 = tpu.vector_load %arg7[%get3A_469] {strides = array<i32>} : memref<4096xf32, #tpu.memory_space<vmem>>, vector<16xf32>,
        %gt3A_471 = arith.cmpf ogt, %get3A_470, %broadcast_in_dim3A_57 : vector<16xf32>
        %eq3A_472 = arith.cmpf oeq, %get3A_470, %broadcast_in_dim3A_57 : vector<16xf32>
        %jit3A_473 = arith.constant 1 : i32
        %jit3A_474 = arith.constant 0 : i32
        %broadcast_in_dim3A_475 = vector.broadcast %jit3A_473 : i32 to vector<16xi32>
        %broadcast_in_dim3A_476 = vector.broadcast %jit3A_474 : i32 to vector<16xi32>
        %select_n3A_477 = arith.select %eq3A_472, %broadcast_in_dim3A_475, %broadcast_in_dim3A_476 : vector<16xi1>, vector<16xi32>
        %jit3A_478 = arith.constant 65536 : i32
        %broadcast_in_dim3A_479 = vector.broadcast %jit3A_478 : i32 to vector<16xi32>
        %select_n3A_480 = arith.select %gt3A_471, %broadcast_in_dim3A_479, %select_n3A_477 : vector<16xi1>, vector<16xi32>
        %add3A_481 = arith.addi %add3A_464, %select_n3A_480 : vector<16xi32>
        scf.yield %add3A_481 : vector<16xi32>
      }
      %scan3A_344 = arith.constant 256 : i32
      %add3A_345 = arith.constant 1 : i32
      %add3A_346 = arith.addi %while3A_336, %add3A_345 : i32
      scf.yield %add3A_346, %scan3A_343 : i32, vector<16xi32>
    }
    %reduce_sum3A = arith.constant true
    %reduce_sum3A_61 = vector.broadcast %reduce_sum3A : i1 to vector<16xi1>
    %reduce_sum3A_62 = tpu.scan <sum>, %while3A_60#1 masked %reduce_sum3A_61 : vector<16xi32>, vector<16xi1> -> vector<16xi32>
    %reduce_sum3A_63 = vector.extract %reduce_sum3A_62[15] : i32 from vector<16xi32>
    %shift_right_arithmetic3A = arith.constant 16 : i32
    %shift_right_arithmetic3A_64 = arith.shrsi %reduce_sum3A_63, %shift_right_arithmetic3A : i32
    %and3A_65 = arith.constant 65535 : i32
    %and3A_66 = arith.andi %reduce_sum3A_63, %and3A_65 : i32
    %ne3A_67 = arith.constant 1 : i32
    %ne3A_68 = arith.cmpi ne, %and3A_66, %ne3A_67 : i32
    %lt3A = arith.constant 5 : i32
    %lt3A_69 = arith.cmpi slt, %shift_right_arithmetic3A_64, %lt3A : i32
    %and3A_70 = arith.andi %ne3A_68, %lt3A_69 : i1
    %convert_element_type3A = arith.extui %and3A_70 : i1 to i32
    %cond3A = arith.constant 0 : i32
    %cond3A_71 = arith.cmpi ne, %convert_element_type3A, %cond3A : i32
    %cond3A_72 = scf.if %cond3A_71 -> (i32) {
      %broadcast_in_dim3A_336 = arith.constant 0 : i32
      %broadcast_in_dim3A_337 = vector.broadcast %broadcast_in_dim3A_336 : i32 to vector<16xi32>
      %scan3A = arith.constant 0 : i32
      %scan3A_338 = arith.constant 8 : i32
      %scan3A_339 = arith.addi %scan3A, %scan3A_338 : i32
      %scan3A_340 = arith.constant 1 : i32
      %scan3A_341 = scf.for %scan3A_347 = %scan3A to %scan3A_339 step %scan3A_340 iter_args(%scan3A_348 = %broadcast_in_dim3A_337) -> (vector<16xi32>)  : i32 {
        %mul3A_349 = arith.constant 4096 : i32
        %mul3A_350 = arith.muli %scan3A_347, %mul3A_349 : i32
        "tpu.region"() ({
          %run_scoped3A = tpu.sem_alloc : memref<!tpu.dma_semaphore, #tpu.memory_space<semaphore_mem>>
          %dma_start3A_357 = tpu.memref_slice %arg2[%add3A_24, %mul3A_350] : memref<128x32768xf32, #tpu.memory_space<hbm>> -> memref<1x4096xf32, #tpu.memory_space<hbm>>
          %dma_start3A_358 = tpu.memref_squeeze %dma_start3A_357 : memref<1x4096xf32, #tpu.memory_space<hbm>> -> memref<4096xf32, #tpu.memory_space<hbm>>
          %dma_start3A_359 = tpu.memref_slice %arg2[%add3A_24, %mul3A_350] : memref<128x32768xf32, #tpu.memory_space<hbm>> -> memref<1x4096xf32, #tpu.memory_space<hbm>>
          %dma_start3A_360 = tpu.memref_squeeze %dma_start3A_359 : memref<1x4096xf32, #tpu.memory_space<hbm>> -> memref<4096xf32, #tpu.memory_space<hbm>>
          tpu.enqueue_dma source(%dma_start3A_360 : memref<4096xf32, #tpu.memory_space<hbm>>) target(%arg7 : memref<4096xf32, #tpu.memory_space<vmem>>) target_semaphore(%run_scoped3A : memref<!tpu.dma_semaphore, #tpu.memory_space<semaphore_mem>>)
          %dma_wait3A_361 = tpu.memref_slice %arg2[%add3A_24, %mul3A_350] : memref<128x32768xf32, #tpu.memory_space<hbm>> -> memref<1x4096xf32, #tpu.memory_space<hbm>>
          %dma_wait3A_362 = tpu.memref_squeeze %dma_wait3A_361 : memref<1x4096xf32, #tpu.memory_space<hbm>> -> memref<4096xf32, #tpu.memory_space<hbm>>
          %dma_wait3A_363 = tpu.memref_slice %arg2[%add3A_24, %mul3A_350] : memref<128x32768xf32, #tpu.memory_space<hbm>> -> memref<1x4096xf32, #tpu.memory_space<hbm>>
          %dma_wait3A_364 = tpu.memref_squeeze %dma_wait3A_363 : memref<1x4096xf32, #tpu.memory_space<hbm>> -> memref<4096xf32, #tpu.memory_space<hbm>>
          tpu.wait_dma2 semaphore(%run_scoped3A : memref<!tpu.dma_semaphore, #tpu.memory_space<semaphore_mem>>) src(%dma_wait3A_364 : memref<4096xf32, #tpu.memory_space<hbm>>) dst(%arg7 : memref<4096xf32, #tpu.memory_space<vmem>>)
          tpu.yield
        }) : () -> ()
        %scan3A_351 = arith.constant 0 : i32
        %scan3A_352 = arith.constant 256 : i32
        %scan3A_353 = arith.addi %scan3A_351, %scan3A_352 : i32
        %scan3A_354 = arith.constant 1 : i32
        %scan3A_355 = scf.for %scan3A_357 = %scan3A_351 to %scan3A_353 step %scan3A_354 iter_args(%scan3A_358 = %scan3A_348) -> (vector<16xi32>)  : i32 {
          %mul3A_359 = arith.constant 16 : i32
          %mul3A_360 = arith.muli %scan3A_357, %mul3A_359 : i32
          %get3A_361 = arith.index_cast %mul3A_360 : i32 to index
          %get3A_362 = tpu.vector_load %arg7[%get3A_361] {strides = array<i32>} : memref<4096xf32, #tpu.memory_space<vmem>>, vector<16xf32>,
          %mul3A_363 = arith.constant 4096 : i32
          %mul3A_364 = arith.muli %scan3A_347, %mul3A_363 : i32
          %mul3A_365 = arith.constant 16 : i32
          %mul3A_366 = arith.muli %scan3A_357, %mul3A_365 : i32
          %add3A_367 = arith.addi %mul3A_364, %mul3A_366 : i32
          %add3A_368 = vector.broadcast %add3A_367 : i32 to vector<16xi32>
          %add3A_369 = arith.addi %add3A_368, %iota3A : vector<16xi32>
          %eq3A_370 = arith.cmpf oeq, %get3A_362, %broadcast_in_dim3A_57 : vector<16xf32>
          %lt3A_371 = vector.broadcast %reduce_max3A_20 : i32 to vector<16xi32>
          %lt3A_372 = arith.cmpi slt, %add3A_369, %lt3A_371 : vector<16xi32>
          %and3A_373 = arith.andi %eq3A_370, %lt3A_372 : vector<16xi1>
          %jit3A_374 = arith.constant 1 : i32
          %jit3A_375 = arith.constant 0 : i32
          %broadcast_in_dim3A_376 = vector.broadcast %jit3A_374 : i32 to vector<16xi32>
          %broadcast_in_dim3A_377 = vector.broadcast %jit3A_375 : i32 to vector<16xi32>
          %select_n3A_378 = arith.select %and3A_373, %broadcast_in_dim3A_376, %broadcast_in_dim3A_377 : vector<16xi1>, vector<16xi32>
          %add3A_379 = arith.addi %scan3A_358, %select_n3A_378 : vector<16xi32>
          scf.yield %add3A_379 : vector<16xi32>
        }
        %scan3A_356 = arith.constant 256 : i32
        scf.yield %scan3A_355 : vector<16xi32>
      }
      %scan3A_342 = arith.constant 8 : i32
      %reduce_sum3A_343 = arith.constant true
      %reduce_sum3A_344 = vector.broadcast %reduce_sum3A_343 : i1 to vector<16xi1>
      %reduce_sum3A_345 = tpu.scan <sum>, %scan3A_341 masked %reduce_sum3A_344 : vector<16xi32>, vector<16xi1> -> vector<16xi32>
      %reduce_sum3A_346 = vector.extract %reduce_sum3A_345[15] : i32 from vector<16xi32>
      scf.yield %reduce_sum3A_346 : i32
    } else {
      %cond3A_336 = arith.constant 0 : i32
      scf.yield %cond3A_336 : i32
    }
    %add3A_73 = arith.addi %shift_right_arithmetic3A_64, %cond3A_72 : i32
    %lt3A_74 = arith.constant 5 : i32
    %lt3A_75 = arith.cmpi slt, %add3A_73, %lt3A_74 : i32
    %convert_element_type3A_76 = arith.extui %lt3A_75 : i1 to i32
    %convert_element_type3A_77 = arith.sitofp %convert_element_type3A_76 : i32 to f32
    %broadcast_in_dim3A_78 = vector.broadcast %convert_element_type3A_77 : f32 to vector<16xf32>
    %select_n3A_79 = arith.select %eq3A_12, %broadcast_in_dim3A_78, %broadcast_in_dim3A_10 : vector<16xi1>, vector<16xf32>
    %eq3A_80 = arith.constant 1 : i32
    %eq3A_81 = vector.broadcast %eq3A_80 : i32 to vector<16xi32>
    %eq3A_82 = arith.cmpi eq, %iota3A, %eq3A_81 : vector<16xi32>
    %jit3A_83 = arith.constant -1 : i32
    %broadcast_in_dim3A_84 = vector.broadcast %jit3A_83 : i32 to vector<16xi32>
    %select_n3A_85 = arith.select %eq3A_82, %get3A_9, %broadcast_in_dim3A_84 : vector<16xi1>, vector<16xi32>
    %reduce_max3A_86 = arith.constant true
    %reduce_max3A_87 = vector.broadcast %reduce_max3A_86 : i1 to vector<16xi1>
    %reduce_max3A_88 = arith.constant -2147483648 : i32
    %reduce_max3A_89 = vector.broadcast %reduce_max3A_88 : i32 to vector<16xi32>
    %reduce_max3A_90 = arith.xori %select_n3A_85, %reduce_max3A_89 : vector<16xi32>
    %reduce_max3A_91 = tpu.scan <max>, %reduce_max3A_90 masked %reduce_max3A_87 : vector<16xi32>, vector<16xi1> -> vector<16xi32>
    %reduce_max3A_92 = arith.xori %reduce_max3A_91, %reduce_max3A_89 : vector<16xi32>
    %reduce_max3A_93 = vector.extract %reduce_max3A_92[15] : i32 from vector<16xi32>
    %mul3A_94 = arith.constant 4 : i32
    %mul3A_95 = arith.muli %add3A, %mul3A_94 : i32
    %add3A_96 = arith.constant 1 : i32
    %add3A_97 = arith.addi %mul3A_95, %add3A_96 : i32
    %jit3A_98 = arith.constant 16 : i32
    %div3A_99 = arith.divsi %reduce_max3A_93, %jit3A_98 : i32
    %sign3A_100 = arith.constant 0 : i32
    %sign3A_101 = arith.cmpi sgt, %reduce_max3A_93, %sign3A_100 : i32
    %sign3A_102 = arith.extui %sign3A_101 : i1 to i32
    %sign3A_103 = arith.constant 0 : i32
    %sign3A_104 = arith.cmpi slt, %reduce_max3A_93, %sign3A_103 : i32
    %sign3A_105 = arith.extui %sign3A_104 : i1 to i32
    %sign3A_106 = arith.subi %sign3A_102, %sign3A_105 : i32
    %sign3A_107 = arith.constant 0 : i32
    %sign3A_108 = arith.cmpi sgt, %jit3A_98, %sign3A_107 : i32
    %sign3A_109 = arith.extui %sign3A_108 : i1 to i32
    %sign3A_110 = arith.constant 0 : i32
    %sign3A_111 = arith.cmpi slt, %jit3A_98, %sign3A_110 : i32
    %sign3A_112 = arith.extui %sign3A_111 : i1 to i32
    %sign3A_113 = arith.subi %sign3A_109, %sign3A_112 : i32
    %ne3A_114 = arith.cmpi ne, %sign3A_106, %sign3A_113 : i32
    %rem3A_115 = arith.remsi %reduce_max3A_93, %jit3A_98 : i32
    %ne3A_116 = arith.constant 0 : i32
    %ne3A_117 = arith.cmpi ne, %rem3A_115, %ne3A_116 : i32
    %and3A_118 = arith.andi %ne3A_114, %ne3A_117 : i1
    %sub3A_119 = arith.constant 1 : i32
    %sub3A_120 = arith.subi %div3A_99, %sub3A_119 : i32
    %select_n3A_121 = arith.select %and3A_118, %sub3A_120, %div3A_99 : i32
    %mul3A_122 = arith.constant 16 : i32
    %mul3A_123 = arith.muli %select_n3A_121, %mul3A_122 : i32
    "tpu.region"() ({
      %run_scoped3A = tpu.sem_alloc : memref<!tpu.dma_semaphore, #tpu.memory_space<semaphore_mem>>
      %dma_start3A_336 = tpu.memref_slice %arg2[%add3A_97, %mul3A_123] : memref<128x32768xf32, #tpu.memory_space<hbm>> -> memref<1x16xf32, #tpu.memory_space<hbm>>
      %dma_start3A_337 = tpu.memref_squeeze %dma_start3A_336 : memref<1x16xf32, #tpu.memory_space<hbm>> -> memref<16xf32, #tpu.memory_space<hbm>>
      %dma_start3A_338 = tpu.memref_slice %arg2[%add3A_97, %mul3A_123] : memref<128x32768xf32, #tpu.memory_space<hbm>> -> memref<1x16xf32, #tpu.memory_space<hbm>>
      %dma_start3A_339 = tpu.memref_squeeze %dma_start3A_338 : memref<1x16xf32, #tpu.memory_space<hbm>> -> memref<16xf32, #tpu.memory_space<hbm>>
      tpu.enqueue_dma source(%dma_start3A_339 : memref<16xf32, #tpu.memory_space<hbm>>) target(%arg6 : memref<16xf32, #tpu.memory_space<vmem>>) target_semaphore(%run_scoped3A : memref<!tpu.dma_semaphore, #tpu.memory_space<semaphore_mem>>)
      %dma_wait3A_340 = tpu.memref_slice %arg2[%add3A_97, %mul3A_123] : memref<128x32768xf32, #tpu.memory_space<hbm>> -> memref<1x16xf32, #tpu.memory_space<hbm>>
      %dma_wait3A_341 = tpu.memref_squeeze %dma_wait3A_340 : memref<1x16xf32, #tpu.memory_space<hbm>> -> memref<16xf32, #tpu.memory_space<hbm>>
      %dma_wait3A_342 = tpu.memref_slice %arg2[%add3A_97, %mul3A_123] : memref<128x32768xf32, #tpu.memory_space<hbm>> -> memref<1x16xf32, #tpu.memory_space<hbm>>
      %dma_wait3A_343 = tpu.memref_squeeze %dma_wait3A_342 : memref<1x16xf32, #tpu.memory_space<hbm>> -> memref<16xf32, #tpu.memory_space<hbm>>
      tpu.wait_dma2 semaphore(%run_scoped3A : memref<!tpu.dma_semaphore, #tpu.memory_space<semaphore_mem>>) src(%dma_wait3A_343 : memref<16xf32, #tpu.memory_space<hbm>>) dst(%arg6 : memref<16xf32, #tpu.memory_space<vmem>>)
      tpu.yield
    }) : () -> ()
    %sub3A_124 = arith.subi %reduce_max3A_93, %mul3A_123 : i32
    %eq3A_125 = vector.broadcast %sub3A_124 : i32 to vector<16xi32>
    %eq3A_126 = arith.cmpi eq, %iota3A, %eq3A_125 : vector<16xi32>
    %get3A_127 = arith.constant 0 : index
    %get3A_128 = tpu.vector_load %arg6[%get3A_127] {strides = array<i32>} : memref<16xf32, #tpu.memory_space<vmem>>, vector<16xf32>,
    %jit3A_129 = arith.constant 0xFF800000 : f32
    %broadcast_in_dim3A_130 = vector.broadcast %jit3A_129 : f32 to vector<16xf32>
    %select_n3A_131 = arith.select %eq3A_126, %get3A_128, %broadcast_in_dim3A_130 : vector<16xi1>, vector<16xf32>
    %reduce_max3A_132 = arith.constant true
    %reduce_max3A_133 = vector.broadcast %reduce_max3A_132 : i1 to vector<16xi1>
    %reduce_max3A_134 = tpu.scan <max>, %select_n3A_131 masked %reduce_max3A_133 : vector<16xf32>, vector<16xi1> -> vector<16xf32>
    %reduce_max3A_135 = vector.extract %reduce_max3A_134[15] : f32 from vector<16xf32>
    %broadcast_in_dim3A_136 = vector.broadcast %reduce_max3A_135 : f32 to vector<16xf32>
    %broadcast_in_dim3A_137 = arith.constant 0 : i32
    %broadcast_in_dim3A_138 = vector.broadcast %broadcast_in_dim3A_137 : i32 to vector<16xi32>
    %while3A_139 = arith.constant 0 : i32
    %while3A_140:2 = scf.while (%while3A_336 = %while3A_139, %while3A_337 = %broadcast_in_dim3A_138) : (i32, vector<16xi32>) -> (i32, vector<16xi32>) {
      %reduce_sum3A_338 = arith.constant true
      %reduce_sum3A_339 = vector.broadcast %reduce_sum3A_338 : i1 to vector<16xi1>
      %reduce_sum3A_340 = tpu.scan <sum>, %while3A_337 masked %reduce_sum3A_339 : vector<16xi32>, vector<16xi1> -> vector<16xi32>
      %reduce_sum3A_341 = vector.extract %reduce_sum3A_340[15] : i32 from vector<16xi32>
      %lt3A_342 = arith.constant 8 : i32
      %lt3A_343 = arith.cmpi slt, %while3A_336, %lt3A_342 : i32
      %shift_right_arithmetic3A_344 = arith.constant 16 : i32
      %shift_right_arithmetic3A_345 = arith.shrsi %reduce_sum3A_341, %shift_right_arithmetic3A_344 : i32
      %lt3A_346 = arith.constant 5 : i32
      %lt3A_347 = arith.cmpi slt, %shift_right_arithmetic3A_345, %lt3A_346 : i32
      %and3A_348 = arith.andi %lt3A_343, %lt3A_347 : i1
      scf.condition(%and3A_348) %while3A_336, %while3A_337 : i32, vector<16xi32>
    } do {
    ^bb0(%while3A_336: i32, %while3A_337: vector<16xi32>):
      %mul3A_338 = arith.constant 4096 : i32
      %mul3A_339 = arith.muli %while3A_336, %mul3A_338 : i32
      "tpu.region"() ({
        %run_scoped3A = tpu.sem_alloc : memref<!tpu.dma_semaphore, #tpu.memory_space<semaphore_mem>>
        %dma_start3A_347 = tpu.memref_slice %arg2[%add3A_97, %mul3A_339] : memref<128x32768xf32, #tpu.memory_space<hbm>> -> memref<1x4096xf32, #tpu.memory_space<hbm>>
        %dma_start3A_348 = tpu.memref_squeeze %dma_start3A_347 : memref<1x4096xf32, #tpu.memory_space<hbm>> -> memref<4096xf32, #tpu.memory_space<hbm>>
        %dma_start3A_349 = tpu.memref_slice %arg2[%add3A_97, %mul3A_339] : memref<128x32768xf32, #tpu.memory_space<hbm>> -> memref<1x4096xf32, #tpu.memory_space<hbm>>
        %dma_start3A_350 = tpu.memref_squeeze %dma_start3A_349 : memref<1x4096xf32, #tpu.memory_space<hbm>> -> memref<4096xf32, #tpu.memory_space<hbm>>
        tpu.enqueue_dma source(%dma_start3A_350 : memref<4096xf32, #tpu.memory_space<hbm>>) target(%arg7 : memref<4096xf32, #tpu.memory_space<vmem>>) target_semaphore(%run_scoped3A : memref<!tpu.dma_semaphore, #tpu.memory_space<semaphore_mem>>)
        %dma_wait3A_351 = tpu.memref_slice %arg2[%add3A_97, %mul3A_339] : memref<128x32768xf32, #tpu.memory_space<hbm>> -> memref<1x4096xf32, #tpu.memory_space<hbm>>
        %dma_wait3A_352 = tpu.memref_squeeze %dma_wait3A_351 : memref<1x4096xf32, #tpu.memory_space<hbm>> -> memref<4096xf32, #tpu.memory_space<hbm>>
        %dma_wait3A_353 = tpu.memref_slice %arg2[%add3A_97, %mul3A_339] : memref<128x32768xf32, #tpu.memory_space<hbm>> -> memref<1x4096xf32, #tpu.memory_space<hbm>>
        %dma_wait3A_354 = tpu.memref_squeeze %dma_wait3A_353 : memref<1x4096xf32, #tpu.memory_space<hbm>> -> memref<4096xf32, #tpu.memory_space<hbm>>
        tpu.wait_dma2 semaphore(%run_scoped3A : memref<!tpu.dma_semaphore, #tpu.memory_space<semaphore_mem>>) src(%dma_wait3A_354 : memref<4096xf32, #tpu.memory_space<hbm>>) dst(%arg7 : memref<4096xf32, #tpu.memory_space<vmem>>)
        tpu.yield
      }) : () -> ()
      %scan3A = arith.constant 0 : i32
      %scan3A_340 = arith.constant 256 : i32
      %scan3A_341 = arith.addi %scan3A, %scan3A_340 : i32
      %scan3A_342 = arith.constant 8 : i32
      %scan3A_343 = scf.for %scan3A_347 = %scan3A to %scan3A_341 step %scan3A_342 iter_args(%scan3A_348 = %while3A_337) -> (vector<16xi32>)  : i32 {
        %mul3A_349 = arith.constant 16 : i32
        %mul3A_350 = arith.muli %scan3A_347, %mul3A_349 : i32
        %get3A_351 = arith.index_cast %mul3A_350 : i32 to index
        %get3A_352 = tpu.vector_load %arg7[%get3A_351] {strides = array<i32>} : memref<4096xf32, #tpu.memory_space<vmem>>, vector<16xf32>,
        %gt3A = arith.cmpf ogt, %get3A_352, %broadcast_in_dim3A_136 : vector<16xf32>
        %eq3A_353 = arith.cmpf oeq, %get3A_352, %broadcast_in_dim3A_136 : vector<16xf32>
        %jit3A_354 = arith.constant 1 : i32
        %jit3A_355 = arith.constant 0 : i32
        %broadcast_in_dim3A_356 = vector.broadcast %jit3A_354 : i32 to vector<16xi32>
        %broadcast_in_dim3A_357 = vector.broadcast %jit3A_355 : i32 to vector<16xi32>
        %select_n3A_358 = arith.select %eq3A_353, %broadcast_in_dim3A_356, %broadcast_in_dim3A_357 : vector<16xi1>, vector<16xi32>
        %jit3A_359 = arith.constant 65536 : i32
        %broadcast_in_dim3A_360 = vector.broadcast %jit3A_359 : i32 to vector<16xi32>
        %select_n3A_361 = arith.select %gt3A, %broadcast_in_dim3A_360, %select_n3A_358 : vector<16xi1>, vector<16xi32>
        %add3A_362 = arith.addi %scan3A_348, %select_n3A_361 : vector<16xi32>
        %scan3A_363 = arith.constant 1 : i32
        %scan3A_364 = arith.addi %scan3A_347, %scan3A_363 : i32
        %mul3A_365 = arith.constant 16 : i32
        %mul3A_366 = arith.muli %scan3A_364, %mul3A_365 : i32
        %get3A_367 = arith.index_cast %mul3A_366 : i32 to index
        %get3A_368 = tpu.vector_load %arg7[%get3A_367] {strides = array<i32>} : memref<4096xf32, #tpu.memory_space<vmem>>, vector<16xf32>,
        %gt3A_369 = arith.cmpf ogt, %get3A_368, %broadcast_in_dim3A_136 : vector<16xf32>
        %eq3A_370 = arith.cmpf oeq, %get3A_368, %broadcast_in_dim3A_136 : vector<16xf32>
        %jit3A_371 = arith.constant 1 : i32
        %jit3A_372 = arith.constant 0 : i32
        %broadcast_in_dim3A_373 = vector.broadcast %jit3A_371 : i32 to vector<16xi32>
        %broadcast_in_dim3A_374 = vector.broadcast %jit3A_372 : i32 to vector<16xi32>
        %select_n3A_375 = arith.select %eq3A_370, %broadcast_in_dim3A_373, %broadcast_in_dim3A_374 : vector<16xi1>, vector<16xi32>
        %jit3A_376 = arith.constant 65536 : i32
        %broadcast_in_dim3A_377 = vector.broadcast %jit3A_376 : i32 to vector<16xi32>
        %select_n3A_378 = arith.select %gt3A_369, %broadcast_in_dim3A_377, %select_n3A_375 : vector<16xi1>, vector<16xi32>
        %add3A_379 = arith.addi %add3A_362, %select_n3A_378 : vector<16xi32>
        %scan3A_380 = arith.constant 2 : i32
        %scan3A_381 = arith.addi %scan3A_347, %scan3A_380 : i32
        %mul3A_382 = arith.constant 16 : i32
        %mul3A_383 = arith.muli %scan3A_381, %mul3A_382 : i32
        %get3A_384 = arith.index_cast %mul3A_383 : i32 to index
        %get3A_385 = tpu.vector_load %arg7[%get3A_384] {strides = array<i32>} : memref<4096xf32, #tpu.memory_space<vmem>>, vector<16xf32>,
        %gt3A_386 = arith.cmpf ogt, %get3A_385, %broadcast_in_dim3A_136 : vector<16xf32>
        %eq3A_387 = arith.cmpf oeq, %get3A_385, %broadcast_in_dim3A_136 : vector<16xf32>
        %jit3A_388 = arith.constant 1 : i32
        %jit3A_389 = arith.constant 0 : i32
        %broadcast_in_dim3A_390 = vector.broadcast %jit3A_388 : i32 to vector<16xi32>
        %broadcast_in_dim3A_391 = vector.broadcast %jit3A_389 : i32 to vector<16xi32>
        %select_n3A_392 = arith.select %eq3A_387, %broadcast_in_dim3A_390, %broadcast_in_dim3A_391 : vector<16xi1>, vector<16xi32>
        %jit3A_393 = arith.constant 65536 : i32
        %broadcast_in_dim3A_394 = vector.broadcast %jit3A_393 : i32 to vector<16xi32>
        %select_n3A_395 = arith.select %gt3A_386, %broadcast_in_dim3A_394, %select_n3A_392 : vector<16xi1>, vector<16xi32>
        %add3A_396 = arith.addi %add3A_379, %select_n3A_395 : vector<16xi32>
        %scan3A_397 = arith.constant 3 : i32
        %scan3A_398 = arith.addi %scan3A_347, %scan3A_397 : i32
        %mul3A_399 = arith.constant 16 : i32
        %mul3A_400 = arith.muli %scan3A_398, %mul3A_399 : i32
        %get3A_401 = arith.index_cast %mul3A_400 : i32 to index
        %get3A_402 = tpu.vector_load %arg7[%get3A_401] {strides = array<i32>} : memref<4096xf32, #tpu.memory_space<vmem>>, vector<16xf32>,
        %gt3A_403 = arith.cmpf ogt, %get3A_402, %broadcast_in_dim3A_136 : vector<16xf32>
        %eq3A_404 = arith.cmpf oeq, %get3A_402, %broadcast_in_dim3A_136 : vector<16xf32>
        %jit3A_405 = arith.constant 1 : i32
        %jit3A_406 = arith.constant 0 : i32
        %broadcast_in_dim3A_407 = vector.broadcast %jit3A_405 : i32 to vector<16xi32>
        %broadcast_in_dim3A_408 = vector.broadcast %jit3A_406 : i32 to vector<16xi32>
        %select_n3A_409 = arith.select %eq3A_404, %broadcast_in_dim3A_407, %broadcast_in_dim3A_408 : vector<16xi1>, vector<16xi32>
        %jit3A_410 = arith.constant 65536 : i32
        %broadcast_in_dim3A_411 = vector.broadcast %jit3A_410 : i32 to vector<16xi32>
        %select_n3A_412 = arith.select %gt3A_403, %broadcast_in_dim3A_411, %select_n3A_409 : vector<16xi1>, vector<16xi32>
        %add3A_413 = arith.addi %add3A_396, %select_n3A_412 : vector<16xi32>
        %scan3A_414 = arith.constant 4 : i32
        %scan3A_415 = arith.addi %scan3A_347, %scan3A_414 : i32
        %mul3A_416 = arith.constant 16 : i32
        %mul3A_417 = arith.muli %scan3A_415, %mul3A_416 : i32
        %get3A_418 = arith.index_cast %mul3A_417 : i32 to index
        %get3A_419 = tpu.vector_load %arg7[%get3A_418] {strides = array<i32>} : memref<4096xf32, #tpu.memory_space<vmem>>, vector<16xf32>,
        %gt3A_420 = arith.cmpf ogt, %get3A_419, %broadcast_in_dim3A_136 : vector<16xf32>
        %eq3A_421 = arith.cmpf oeq, %get3A_419, %broadcast_in_dim3A_136 : vector<16xf32>
        %jit3A_422 = arith.constant 1 : i32
        %jit3A_423 = arith.constant 0 : i32
        %broadcast_in_dim3A_424 = vector.broadcast %jit3A_422 : i32 to vector<16xi32>
        %broadcast_in_dim3A_425 = vector.broadcast %jit3A_423 : i32 to vector<16xi32>
        %select_n3A_426 = arith.select %eq3A_421, %broadcast_in_dim3A_424, %broadcast_in_dim3A_425 : vector<16xi1>, vector<16xi32>
        %jit3A_427 = arith.constant 65536 : i32
        %broadcast_in_dim3A_428 = vector.broadcast %jit3A_427 : i32 to vector<16xi32>
        %select_n3A_429 = arith.select %gt3A_420, %broadcast_in_dim3A_428, %select_n3A_426 : vector<16xi1>, vector<16xi32>
        %add3A_430 = arith.addi %add3A_413, %select_n3A_429 : vector<16xi32>
        %scan3A_431 = arith.constant 5 : i32
        %scan3A_432 = arith.addi %scan3A_347, %scan3A_431 : i32
        %mul3A_433 = arith.constant 16 : i32
        %mul3A_434 = arith.muli %scan3A_432, %mul3A_433 : i32
        %get3A_435 = arith.index_cast %mul3A_434 : i32 to index
        %get3A_436 = tpu.vector_load %arg7[%get3A_435] {strides = array<i32>} : memref<4096xf32, #tpu.memory_space<vmem>>, vector<16xf32>,
        %gt3A_437 = arith.cmpf ogt, %get3A_436, %broadcast_in_dim3A_136 : vector<16xf32>
        %eq3A_438 = arith.cmpf oeq, %get3A_436, %broadcast_in_dim3A_136 : vector<16xf32>
        %jit3A_439 = arith.constant 1 : i32
        %jit3A_440 = arith.constant 0 : i32
        %broadcast_in_dim3A_441 = vector.broadcast %jit3A_439 : i32 to vector<16xi32>
        %broadcast_in_dim3A_442 = vector.broadcast %jit3A_440 : i32 to vector<16xi32>
        %select_n3A_443 = arith.select %eq3A_438, %broadcast_in_dim3A_441, %broadcast_in_dim3A_442 : vector<16xi1>, vector<16xi32>
        %jit3A_444 = arith.constant 65536 : i32
        %broadcast_in_dim3A_445 = vector.broadcast %jit3A_444 : i32 to vector<16xi32>
        %select_n3A_446 = arith.select %gt3A_437, %broadcast_in_dim3A_445, %select_n3A_443 : vector<16xi1>, vector<16xi32>
        %add3A_447 = arith.addi %add3A_430, %select_n3A_446 : vector<16xi32>
        %scan3A_448 = arith.constant 6 : i32
        %scan3A_449 = arith.addi %scan3A_347, %scan3A_448 : i32
        %mul3A_450 = arith.constant 16 : i32
        %mul3A_451 = arith.muli %scan3A_449, %mul3A_450 : i32
        %get3A_452 = arith.index_cast %mul3A_451 : i32 to index
        %get3A_453 = tpu.vector_load %arg7[%get3A_452] {strides = array<i32>} : memref<4096xf32, #tpu.memory_space<vmem>>, vector<16xf32>,
        %gt3A_454 = arith.cmpf ogt, %get3A_453, %broadcast_in_dim3A_136 : vector<16xf32>
        %eq3A_455 = arith.cmpf oeq, %get3A_453, %broadcast_in_dim3A_136 : vector<16xf32>
        %jit3A_456 = arith.constant 1 : i32
        %jit3A_457 = arith.constant 0 : i32
        %broadcast_in_dim3A_458 = vector.broadcast %jit3A_456 : i32 to vector<16xi32>
        %broadcast_in_dim3A_459 = vector.broadcast %jit3A_457 : i32 to vector<16xi32>
        %select_n3A_460 = arith.select %eq3A_455, %broadcast_in_dim3A_458, %broadcast_in_dim3A_459 : vector<16xi1>, vector<16xi32>
        %jit3A_461 = arith.constant 65536 : i32
        %broadcast_in_dim3A_462 = vector.broadcast %jit3A_461 : i32 to vector<16xi32>
        %select_n3A_463 = arith.select %gt3A_454, %broadcast_in_dim3A_462, %select_n3A_460 : vector<16xi1>, vector<16xi32>
        %add3A_464 = arith.addi %add3A_447, %select_n3A_463 : vector<16xi32>
        %scan3A_465 = arith.constant 7 : i32
        %scan3A_466 = arith.addi %scan3A_347, %scan3A_465 : i32
        %mul3A_467 = arith.constant 16 : i32
        %mul3A_468 = arith.muli %scan3A_466, %mul3A_467 : i32
        %get3A_469 = arith.index_cast %mul3A_468 : i32 to index
        %get3A_470 = tpu.vector_load %arg7[%get3A_469] {strides = array<i32>} : memref<4096xf32, #tpu.memory_space<vmem>>, vector<16xf32>,
        %gt3A_471 = arith.cmpf ogt, %get3A_470, %broadcast_in_dim3A_136 : vector<16xf32>
        %eq3A_472 = arith.cmpf oeq, %get3A_470, %broadcast_in_dim3A_136 : vector<16xf32>
        %jit3A_473 = arith.constant 1 : i32
        %jit3A_474 = arith.constant 0 : i32
        %broadcast_in_dim3A_475 = vector.broadcast %jit3A_473 : i32 to vector<16xi32>
        %broadcast_in_dim3A_476 = vector.broadcast %jit3A_474 : i32 to vector<16xi32>
        %select_n3A_477 = arith.select %eq3A_472, %broadcast_in_dim3A_475, %broadcast_in_dim3A_476 : vector<16xi1>, vector<16xi32>
        %jit3A_478 = arith.constant 65536 : i32
        %broadcast_in_dim3A_479 = vector.broadcast %jit3A_478 : i32 to vector<16xi32>
        %select_n3A_480 = arith.select %gt3A_471, %broadcast_in_dim3A_479, %select_n3A_477 : vector<16xi1>, vector<16xi32>
        %add3A_481 = arith.addi %add3A_464, %select_n3A_480 : vector<16xi32>
        scf.yield %add3A_481 : vector<16xi32>
      }
      %scan3A_344 = arith.constant 256 : i32
      %add3A_345 = arith.constant 1 : i32
      %add3A_346 = arith.addi %while3A_336, %add3A_345 : i32
      scf.yield %add3A_346, %scan3A_343 : i32, vector<16xi32>
    }
    %reduce_sum3A_141 = arith.constant true
    %reduce_sum3A_142 = vector.broadcast %reduce_sum3A_141 : i1 to vector<16xi1>
    %reduce_sum3A_143 = tpu.scan <sum>, %while3A_140#1 masked %reduce_sum3A_142 : vector<16xi32>, vector<16xi1> -> vector<16xi32>
    %reduce_sum3A_144 = vector.extract %reduce_sum3A_143[15] : i32 from vector<16xi32>
    %shift_right_arithmetic3A_145 = arith.constant 16 : i32
    %shift_right_arithmetic3A_146 = arith.shrsi %reduce_sum3A_144, %shift_right_arithmetic3A_145 : i32
    %and3A_147 = arith.constant 65535 : i32
    %and3A_148 = arith.andi %reduce_sum3A_144, %and3A_147 : i32
    %ne3A_149 = arith.constant 1 : i32
    %ne3A_150 = arith.cmpi ne, %and3A_148, %ne3A_149 : i32
    %lt3A_151 = arith.constant 5 : i32
    %lt3A_152 = arith.cmpi slt, %shift_right_arithmetic3A_146, %lt3A_151 : i32
    %and3A_153 = arith.andi %ne3A_150, %lt3A_152 : i1
    %convert_element_type3A_154 = arith.extui %and3A_153 : i1 to i32
    %cond3A_155 = arith.constant 0 : i32
    %cond3A_156 = arith.cmpi ne, %convert_element_type3A_154, %cond3A_155 : i32
    %cond3A_157 = scf.if %cond3A_156 -> (i32) {
      %broadcast_in_dim3A_336 = arith.constant 0 : i32
      %broadcast_in_dim3A_337 = vector.broadcast %broadcast_in_dim3A_336 : i32 to vector<16xi32>
      %scan3A = arith.constant 0 : i32
      %scan3A_338 = arith.constant 8 : i32
      %scan3A_339 = arith.addi %scan3A, %scan3A_338 : i32
      %scan3A_340 = arith.constant 1 : i32
      %scan3A_341 = scf.for %scan3A_347 = %scan3A to %scan3A_339 step %scan3A_340 iter_args(%scan3A_348 = %broadcast_in_dim3A_337) -> (vector<16xi32>)  : i32 {
        %mul3A_349 = arith.constant 4096 : i32
        %mul3A_350 = arith.muli %scan3A_347, %mul3A_349 : i32
        "tpu.region"() ({
          %run_scoped3A = tpu.sem_alloc : memref<!tpu.dma_semaphore, #tpu.memory_space<semaphore_mem>>
          %dma_start3A_357 = tpu.memref_slice %arg2[%add3A_97, %mul3A_350] : memref<128x32768xf32, #tpu.memory_space<hbm>> -> memref<1x4096xf32, #tpu.memory_space<hbm>>
          %dma_start3A_358 = tpu.memref_squeeze %dma_start3A_357 : memref<1x4096xf32, #tpu.memory_space<hbm>> -> memref<4096xf32, #tpu.memory_space<hbm>>
          %dma_start3A_359 = tpu.memref_slice %arg2[%add3A_97, %mul3A_350] : memref<128x32768xf32, #tpu.memory_space<hbm>> -> memref<1x4096xf32, #tpu.memory_space<hbm>>
          %dma_start3A_360 = tpu.memref_squeeze %dma_start3A_359 : memref<1x4096xf32, #tpu.memory_space<hbm>> -> memref<4096xf32, #tpu.memory_space<hbm>>
          tpu.enqueue_dma source(%dma_start3A_360 : memref<4096xf32, #tpu.memory_space<hbm>>) target(%arg7 : memref<4096xf32, #tpu.memory_space<vmem>>) target_semaphore(%run_scoped3A : memref<!tpu.dma_semaphore, #tpu.memory_space<semaphore_mem>>)
          %dma_wait3A_361 = tpu.memref_slice %arg2[%add3A_97, %mul3A_350] : memref<128x32768xf32, #tpu.memory_space<hbm>> -> memref<1x4096xf32, #tpu.memory_space<hbm>>
          %dma_wait3A_362 = tpu.memref_squeeze %dma_wait3A_361 : memref<1x4096xf32, #tpu.memory_space<hbm>> -> memref<4096xf32, #tpu.memory_space<hbm>>
          %dma_wait3A_363 = tpu.memref_slice %arg2[%add3A_97, %mul3A_350] : memref<128x32768xf32, #tpu.memory_space<hbm>> -> memref<1x4096xf32, #tpu.memory_space<hbm>>
          %dma_wait3A_364 = tpu.memref_squeeze %dma_wait3A_363 : memref<1x4096xf32, #tpu.memory_space<hbm>> -> memref<4096xf32, #tpu.memory_space<hbm>>
          tpu.wait_dma2 semaphore(%run_scoped3A : memref<!tpu.dma_semaphore, #tpu.memory_space<semaphore_mem>>) src(%dma_wait3A_364 : memref<4096xf32, #tpu.memory_space<hbm>>) dst(%arg7 : memref<4096xf32, #tpu.memory_space<vmem>>)
          tpu.yield
        }) : () -> ()
        %scan3A_351 = arith.constant 0 : i32
        %scan3A_352 = arith.constant 256 : i32
        %scan3A_353 = arith.addi %scan3A_351, %scan3A_352 : i32
        %scan3A_354 = arith.constant 1 : i32
        %scan3A_355 = scf.for %scan3A_357 = %scan3A_351 to %scan3A_353 step %scan3A_354 iter_args(%scan3A_358 = %scan3A_348) -> (vector<16xi32>)  : i32 {
          %mul3A_359 = arith.constant 16 : i32
          %mul3A_360 = arith.muli %scan3A_357, %mul3A_359 : i32
          %get3A_361 = arith.index_cast %mul3A_360 : i32 to index
          %get3A_362 = tpu.vector_load %arg7[%get3A_361] {strides = array<i32>} : memref<4096xf32, #tpu.memory_space<vmem>>, vector<16xf32>,
          %mul3A_363 = arith.constant 4096 : i32
          %mul3A_364 = arith.muli %scan3A_347, %mul3A_363 : i32
          %mul3A_365 = arith.constant 16 : i32
          %mul3A_366 = arith.muli %scan3A_357, %mul3A_365 : i32
          %add3A_367 = arith.addi %mul3A_364, %mul3A_366 : i32
          %add3A_368 = vector.broadcast %add3A_367 : i32 to vector<16xi32>
          %add3A_369 = arith.addi %add3A_368, %iota3A : vector<16xi32>
          %eq3A_370 = arith.cmpf oeq, %get3A_362, %broadcast_in_dim3A_136 : vector<16xf32>
          %lt3A_371 = vector.broadcast %reduce_max3A_93 : i32 to vector<16xi32>
          %lt3A_372 = arith.cmpi slt, %add3A_369, %lt3A_371 : vector<16xi32>
          %and3A_373 = arith.andi %eq3A_370, %lt3A_372 : vector<16xi1>
          %jit3A_374 = arith.constant 1 : i32
          %jit3A_375 = arith.constant 0 : i32
          %broadcast_in_dim3A_376 = vector.broadcast %jit3A_374 : i32 to vector<16xi32>
          %broadcast_in_dim3A_377 = vector.broadcast %jit3A_375 : i32 to vector<16xi32>
          %select_n3A_378 = arith.select %and3A_373, %broadcast_in_dim3A_376, %broadcast_in_dim3A_377 : vector<16xi1>, vector<16xi32>
          %add3A_379 = arith.addi %scan3A_358, %select_n3A_378 : vector<16xi32>
          scf.yield %add3A_379 : vector<16xi32>
        }
        %scan3A_356 = arith.constant 256 : i32
        scf.yield %scan3A_355 : vector<16xi32>
      }
      %scan3A_342 = arith.constant 8 : i32
      %reduce_sum3A_343 = arith.constant true
      %reduce_sum3A_344 = vector.broadcast %reduce_sum3A_343 : i1 to vector<16xi1>
      %reduce_sum3A_345 = tpu.scan <sum>, %scan3A_341 masked %reduce_sum3A_344 : vector<16xi32>, vector<16xi1> -> vector<16xi32>
      %reduce_sum3A_346 = vector.extract %reduce_sum3A_345[15] : i32 from vector<16xi32>
      scf.yield %reduce_sum3A_346 : i32
    } else {
      %cond3A_336 = arith.constant 0 : i32
      scf.yield %cond3A_336 : i32
    }
    %add3A_158 = arith.addi %shift_right_arithmetic3A_146, %cond3A_157 : i32
    %lt3A_159 = arith.constant 5 : i32
    %lt3A_160 = arith.cmpi slt, %add3A_158, %lt3A_159 : i32
    %convert_element_type3A_161 = arith.extui %lt3A_160 : i1 to i32
    %convert_element_type3A_162 = arith.sitofp %convert_element_type3A_161 : i32 to f32
    %broadcast_in_dim3A_163 = vector.broadcast %convert_element_type3A_162 : f32 to vector<16xf32>
    %select_n3A_164 = arith.select %eq3A_82, %broadcast_in_dim3A_163, %select_n3A_79 : vector<16xi1>, vector<16xf32>
    %eq3A_165 = arith.constant 2 : i32
    %eq3A_166 = vector.broadcast %eq3A_165 : i32 to vector<16xi32>
    %eq3A_167 = arith.cmpi eq, %iota3A, %eq3A_166 : vector<16xi32>
    %jit3A_168 = arith.constant -1 : i32
    %broadcast_in_dim3A_169 = vector.broadcast %jit3A_168 : i32 to vector<16xi32>
    %select_n3A_170 = arith.select %eq3A_167, %get3A_9, %broadcast_in_dim3A_169 : vector<16xi1>, vector<16xi32>
    %reduce_max3A_171 = arith.constant true
    %reduce_max3A_172 = vector.broadcast %reduce_max3A_171 : i1 to vector<16xi1>
    %reduce_max3A_173 = arith.constant -2147483648 : i32
    %reduce_max3A_174 = vector.broadcast %reduce_max3A_173 : i32 to vector<16xi32>
    %reduce_max3A_175 = arith.xori %select_n3A_170, %reduce_max3A_174 : vector<16xi32>
    %reduce_max3A_176 = tpu.scan <max>, %reduce_max3A_175 masked %reduce_max3A_172 : vector<16xi32>, vector<16xi1> -> vector<16xi32>
    %reduce_max3A_177 = arith.xori %reduce_max3A_176, %reduce_max3A_174 : vector<16xi32>
    %reduce_max3A_178 = vector.extract %reduce_max3A_177[15] : i32 from vector<16xi32>
    %mul3A_179 = arith.constant 4 : i32
    %mul3A_180 = arith.muli %add3A, %mul3A_179 : i32
    %add3A_181 = arith.constant 2 : i32
    %add3A_182 = arith.addi %mul3A_180, %add3A_181 : i32
    %jit3A_183 = arith.constant 16 : i32
    %div3A_184 = arith.divsi %reduce_max3A_178, %jit3A_183 : i32
    %sign3A_185 = arith.constant 0 : i32
    %sign3A_186 = arith.cmpi sgt, %reduce_max3A_178, %sign3A_185 : i32
    %sign3A_187 = arith.extui %sign3A_186 : i1 to i32
    %sign3A_188 = arith.constant 0 : i32
    %sign3A_189 = arith.cmpi slt, %reduce_max3A_178, %sign3A_188 : i32
    %sign3A_190 = arith.extui %sign3A_189 : i1 to i32
    %sign3A_191 = arith.subi %sign3A_187, %sign3A_190 : i32
    %sign3A_192 = arith.constant 0 : i32
    %sign3A_193 = arith.cmpi sgt, %jit3A_183, %sign3A_192 : i32
    %sign3A_194 = arith.extui %sign3A_193 : i1 to i32
    %sign3A_195 = arith.constant 0 : i32
    %sign3A_196 = arith.cmpi slt, %jit3A_183, %sign3A_195 : i32
    %sign3A_197 = arith.extui %sign3A_196 : i1 to i32
    %sign3A_198 = arith.subi %sign3A_194, %sign3A_197 : i32
    %ne3A_199 = arith.cmpi ne, %sign3A_191, %sign3A_198 : i32
    %rem3A_200 = arith.remsi %reduce_max3A_178, %jit3A_183 : i32
    %ne3A_201 = arith.constant 0 : i32
    %ne3A_202 = arith.cmpi ne, %rem3A_200, %ne3A_201 : i32
    %and3A_203 = arith.andi %ne3A_199, %ne3A_202 : i1
    %sub3A_204 = arith.constant 1 : i32
    %sub3A_205 = arith.subi %div3A_184, %sub3A_204 : i32
    %select_n3A_206 = arith.select %and3A_203, %sub3A_205, %div3A_184 : i32
    %mul3A_207 = arith.constant 16 : i32
    %mul3A_208 = arith.muli %select_n3A_206, %mul3A_207 : i32
    "tpu.region"() ({
      %run_scoped3A = tpu.sem_alloc : memref<!tpu.dma_semaphore, #tpu.memory_space<semaphore_mem>>
      %dma_start3A_336 = tpu.memref_slice %arg2[%add3A_182, %mul3A_208] : memref<128x32768xf32, #tpu.memory_space<hbm>> -> memref<1x16xf32, #tpu.memory_space<hbm>>
      %dma_start3A_337 = tpu.memref_squeeze %dma_start3A_336 : memref<1x16xf32, #tpu.memory_space<hbm>> -> memref<16xf32, #tpu.memory_space<hbm>>
      %dma_start3A_338 = tpu.memref_slice %arg2[%add3A_182, %mul3A_208] : memref<128x32768xf32, #tpu.memory_space<hbm>> -> memref<1x16xf32, #tpu.memory_space<hbm>>
      %dma_start3A_339 = tpu.memref_squeeze %dma_start3A_338 : memref<1x16xf32, #tpu.memory_space<hbm>> -> memref<16xf32, #tpu.memory_space<hbm>>
      tpu.enqueue_dma source(%dma_start3A_339 : memref<16xf32, #tpu.memory_space<hbm>>) target(%arg6 : memref<16xf32, #tpu.memory_space<vmem>>) target_semaphore(%run_scoped3A : memref<!tpu.dma_semaphore, #tpu.memory_space<semaphore_mem>>)
      %dma_wait3A_340 = tpu.memref_slice %arg2[%add3A_182, %mul3A_208] : memref<128x32768xf32, #tpu.memory_space<hbm>> -> memref<1x16xf32, #tpu.memory_space<hbm>>
      %dma_wait3A_341 = tpu.memref_squeeze %dma_wait3A_340 : memref<1x16xf32, #tpu.memory_space<hbm>> -> memref<16xf32, #tpu.memory_space<hbm>>
      %dma_wait3A_342 = tpu.memref_slice %arg2[%add3A_182, %mul3A_208] : memref<128x32768xf32, #tpu.memory_space<hbm>> -> memref<1x16xf32, #tpu.memory_space<hbm>>
      %dma_wait3A_343 = tpu.memref_squeeze %dma_wait3A_342 : memref<1x16xf32, #tpu.memory_space<hbm>> -> memref<16xf32, #tpu.memory_space<hbm>>
      tpu.wait_dma2 semaphore(%run_scoped3A : memref<!tpu.dma_semaphore, #tpu.memory_space<semaphore_mem>>) src(%dma_wait3A_343 : memref<16xf32, #tpu.memory_space<hbm>>) dst(%arg6 : memref<16xf32, #tpu.memory_space<vmem>>)
      tpu.yield
    }) : () -> ()
    %sub3A_209 = arith.subi %reduce_max3A_178, %mul3A_208 : i32
    %eq3A_210 = vector.broadcast %sub3A_209 : i32 to vector<16xi32>
    %eq3A_211 = arith.cmpi eq, %iota3A, %eq3A_210 : vector<16xi32>
    %get3A_212 = arith.constant 0 : index
    %get3A_213 = tpu.vector_load %arg6[%get3A_212] {strides = array<i32>} : memref<16xf32, #tpu.memory_space<vmem>>, vector<16xf32>,
    %jit3A_214 = arith.constant 0xFF800000 : f32
    %broadcast_in_dim3A_215 = vector.broadcast %jit3A_214 : f32 to vector<16xf32>
    %select_n3A_216 = arith.select %eq3A_211, %get3A_213, %broadcast_in_dim3A_215 : vector<16xi1>, vector<16xf32>
    %reduce_max3A_217 = arith.constant true
    %reduce_max3A_218 = vector.broadcast %reduce_max3A_217 : i1 to vector<16xi1>
    %reduce_max3A_219 = tpu.scan <max>, %select_n3A_216 masked %reduce_max3A_218 : vector<16xf32>, vector<16xi1> -> vector<16xf32>
    %reduce_max3A_220 = vector.extract %reduce_max3A_219[15] : f32 from vector<16xf32>
    %broadcast_in_dim3A_221 = vector.broadcast %reduce_max3A_220 : f32 to vector<16xf32>
    %broadcast_in_dim3A_222 = arith.constant 0 : i32
    %broadcast_in_dim3A_223 = vector.broadcast %broadcast_in_dim3A_222 : i32 to vector<16xi32>
    %while3A_224 = arith.constant 0 : i32
    %while3A_225:2 = scf.while (%while3A_336 = %while3A_224, %while3A_337 = %broadcast_in_dim3A_223) : (i32, vector<16xi32>) -> (i32, vector<16xi32>) {
      %reduce_sum3A_338 = arith.constant true
      %reduce_sum3A_339 = vector.broadcast %reduce_sum3A_338 : i1 to vector<16xi1>
      %reduce_sum3A_340 = tpu.scan <sum>, %while3A_337 masked %reduce_sum3A_339 : vector<16xi32>, vector<16xi1> -> vector<16xi32>
      %reduce_sum3A_341 = vector.extract %reduce_sum3A_340[15] : i32 from vector<16xi32>
      %lt3A_342 = arith.constant 8 : i32
      %lt3A_343 = arith.cmpi slt, %while3A_336, %lt3A_342 : i32
      %shift_right_arithmetic3A_344 = arith.constant 16 : i32
      %shift_right_arithmetic3A_345 = arith.shrsi %reduce_sum3A_341, %shift_right_arithmetic3A_344 : i32
      %lt3A_346 = arith.constant 5 : i32
      %lt3A_347 = arith.cmpi slt, %shift_right_arithmetic3A_345, %lt3A_346 : i32
      %and3A_348 = arith.andi %lt3A_343, %lt3A_347 : i1
      scf.condition(%and3A_348) %while3A_336, %while3A_337 : i32, vector<16xi32>
    } do {
    ^bb0(%while3A_336: i32, %while3A_337: vector<16xi32>):
      %mul3A_338 = arith.constant 4096 : i32
      %mul3A_339 = arith.muli %while3A_336, %mul3A_338 : i32
      "tpu.region"() ({
        %run_scoped3A = tpu.sem_alloc : memref<!tpu.dma_semaphore, #tpu.memory_space<semaphore_mem>>
        %dma_start3A_347 = tpu.memref_slice %arg2[%add3A_182, %mul3A_339] : memref<128x32768xf32, #tpu.memory_space<hbm>> -> memref<1x4096xf32, #tpu.memory_space<hbm>>
        %dma_start3A_348 = tpu.memref_squeeze %dma_start3A_347 : memref<1x4096xf32, #tpu.memory_space<hbm>> -> memref<4096xf32, #tpu.memory_space<hbm>>
        %dma_start3A_349 = tpu.memref_slice %arg2[%add3A_182, %mul3A_339] : memref<128x32768xf32, #tpu.memory_space<hbm>> -> memref<1x4096xf32, #tpu.memory_space<hbm>>
        %dma_start3A_350 = tpu.memref_squeeze %dma_start3A_349 : memref<1x4096xf32, #tpu.memory_space<hbm>> -> memref<4096xf32, #tpu.memory_space<hbm>>
        tpu.enqueue_dma source(%dma_start3A_350 : memref<4096xf32, #tpu.memory_space<hbm>>) target(%arg7 : memref<4096xf32, #tpu.memory_space<vmem>>) target_semaphore(%run_scoped3A : memref<!tpu.dma_semaphore, #tpu.memory_space<semaphore_mem>>)
        %dma_wait3A_351 = tpu.memref_slice %arg2[%add3A_182, %mul3A_339] : memref<128x32768xf32, #tpu.memory_space<hbm>> -> memref<1x4096xf32, #tpu.memory_space<hbm>>
        %dma_wait3A_352 = tpu.memref_squeeze %dma_wait3A_351 : memref<1x4096xf32, #tpu.memory_space<hbm>> -> memref<4096xf32, #tpu.memory_space<hbm>>
        %dma_wait3A_353 = tpu.memref_slice %arg2[%add3A_182, %mul3A_339] : memref<128x32768xf32, #tpu.memory_space<hbm>> -> memref<1x4096xf32, #tpu.memory_space<hbm>>
        %dma_wait3A_354 = tpu.memref_squeeze %dma_wait3A_353 : memref<1x4096xf32, #tpu.memory_space<hbm>> -> memref<4096xf32, #tpu.memory_space<hbm>>
        tpu.wait_dma2 semaphore(%run_scoped3A : memref<!tpu.dma_semaphore, #tpu.memory_space<semaphore_mem>>) src(%dma_wait3A_354 : memref<4096xf32, #tpu.memory_space<hbm>>) dst(%arg7 : memref<4096xf32, #tpu.memory_space<vmem>>)
        tpu.yield
      }) : () -> ()
      %scan3A = arith.constant 0 : i32
      %scan3A_340 = arith.constant 256 : i32
      %scan3A_341 = arith.addi %scan3A, %scan3A_340 : i32
      %scan3A_342 = arith.constant 8 : i32
      %scan3A_343 = scf.for %scan3A_347 = %scan3A to %scan3A_341 step %scan3A_342 iter_args(%scan3A_348 = %while3A_337) -> (vector<16xi32>)  : i32 {
        %mul3A_349 = arith.constant 16 : i32
        %mul3A_350 = arith.muli %scan3A_347, %mul3A_349 : i32
        %get3A_351 = arith.index_cast %mul3A_350 : i32 to index
        %get3A_352 = tpu.vector_load %arg7[%get3A_351] {strides = array<i32>} : memref<4096xf32, #tpu.memory_space<vmem>>, vector<16xf32>,
        %gt3A = arith.cmpf ogt, %get3A_352, %broadcast_in_dim3A_221 : vector<16xf32>
        %eq3A_353 = arith.cmpf oeq, %get3A_352, %broadcast_in_dim3A_221 : vector<16xf32>
        %jit3A_354 = arith.constant 1 : i32
        %jit3A_355 = arith.constant 0 : i32
        %broadcast_in_dim3A_356 = vector.broadcast %jit3A_354 : i32 to vector<16xi32>
        %broadcast_in_dim3A_357 = vector.broadcast %jit3A_355 : i32 to vector<16xi32>
        %select_n3A_358 = arith.select %eq3A_353, %broadcast_in_dim3A_356, %broadcast_in_dim3A_357 : vector<16xi1>, vector<16xi32>
        %jit3A_359 = arith.constant 65536 : i32
        %broadcast_in_dim3A_360 = vector.broadcast %jit3A_359 : i32 to vector<16xi32>
        %select_n3A_361 = arith.select %gt3A, %broadcast_in_dim3A_360, %select_n3A_358 : vector<16xi1>, vector<16xi32>
        %add3A_362 = arith.addi %scan3A_348, %select_n3A_361 : vector<16xi32>
        %scan3A_363 = arith.constant 1 : i32
        %scan3A_364 = arith.addi %scan3A_347, %scan3A_363 : i32
        %mul3A_365 = arith.constant 16 : i32
        %mul3A_366 = arith.muli %scan3A_364, %mul3A_365 : i32
        %get3A_367 = arith.index_cast %mul3A_366 : i32 to index
        %get3A_368 = tpu.vector_load %arg7[%get3A_367] {strides = array<i32>} : memref<4096xf32, #tpu.memory_space<vmem>>, vector<16xf32>,
        %gt3A_369 = arith.cmpf ogt, %get3A_368, %broadcast_in_dim3A_221 : vector<16xf32>
        %eq3A_370 = arith.cmpf oeq, %get3A_368, %broadcast_in_dim3A_221 : vector<16xf32>
        %jit3A_371 = arith.constant 1 : i32
        %jit3A_372 = arith.constant 0 : i32
        %broadcast_in_dim3A_373 = vector.broadcast %jit3A_371 : i32 to vector<16xi32>
        %broadcast_in_dim3A_374 = vector.broadcast %jit3A_372 : i32 to vector<16xi32>
        %select_n3A_375 = arith.select %eq3A_370, %broadcast_in_dim3A_373, %broadcast_in_dim3A_374 : vector<16xi1>, vector<16xi32>
        %jit3A_376 = arith.constant 65536 : i32
        %broadcast_in_dim3A_377 = vector.broadcast %jit3A_376 : i32 to vector<16xi32>
        %select_n3A_378 = arith.select %gt3A_369, %broadcast_in_dim3A_377, %select_n3A_375 : vector<16xi1>, vector<16xi32>
        %add3A_379 = arith.addi %add3A_362, %select_n3A_378 : vector<16xi32>
        %scan3A_380 = arith.constant 2 : i32
        %scan3A_381 = arith.addi %scan3A_347, %scan3A_380 : i32
        %mul3A_382 = arith.constant 16 : i32
        %mul3A_383 = arith.muli %scan3A_381, %mul3A_382 : i32
        %get3A_384 = arith.index_cast %mul3A_383 : i32 to index
        %get3A_385 = tpu.vector_load %arg7[%get3A_384] {strides = array<i32>} : memref<4096xf32, #tpu.memory_space<vmem>>, vector<16xf32>,
        %gt3A_386 = arith.cmpf ogt, %get3A_385, %broadcast_in_dim3A_221 : vector<16xf32>
        %eq3A_387 = arith.cmpf oeq, %get3A_385, %broadcast_in_dim3A_221 : vector<16xf32>
        %jit3A_388 = arith.constant 1 : i32
        %jit3A_389 = arith.constant 0 : i32
        %broadcast_in_dim3A_390 = vector.broadcast %jit3A_388 : i32 to vector<16xi32>
        %broadcast_in_dim3A_391 = vector.broadcast %jit3A_389 : i32 to vector<16xi32>
        %select_n3A_392 = arith.select %eq3A_387, %broadcast_in_dim3A_390, %broadcast_in_dim3A_391 : vector<16xi1>, vector<16xi32>
        %jit3A_393 = arith.constant 65536 : i32
        %broadcast_in_dim3A_394 = vector.broadcast %jit3A_393 : i32 to vector<16xi32>
        %select_n3A_395 = arith.select %gt3A_386, %broadcast_in_dim3A_394, %select_n3A_392 : vector<16xi1>, vector<16xi32>
        %add3A_396 = arith.addi %add3A_379, %select_n3A_395 : vector<16xi32>
        %scan3A_397 = arith.constant 3 : i32
        %scan3A_398 = arith.addi %scan3A_347, %scan3A_397 : i32
        %mul3A_399 = arith.constant 16 : i32
        %mul3A_400 = arith.muli %scan3A_398, %mul3A_399 : i32
        %get3A_401 = arith.index_cast %mul3A_400 : i32 to index
        %get3A_402 = tpu.vector_load %arg7[%get3A_401] {strides = array<i32>} : memref<4096xf32, #tpu.memory_space<vmem>>, vector<16xf32>,
        %gt3A_403 = arith.cmpf ogt, %get3A_402, %broadcast_in_dim3A_221 : vector<16xf32>
        %eq3A_404 = arith.cmpf oeq, %get3A_402, %broadcast_in_dim3A_221 : vector<16xf32>
        %jit3A_405 = arith.constant 1 : i32
        %jit3A_406 = arith.constant 0 : i32
        %broadcast_in_dim3A_407 = vector.broadcast %jit3A_405 : i32 to vector<16xi32>
        %broadcast_in_dim3A_408 = vector.broadcast %jit3A_406 : i32 to vector<16xi32>
        %select_n3A_409 = arith.select %eq3A_404, %broadcast_in_dim3A_407, %broadcast_in_dim3A_408 : vector<16xi1>, vector<16xi32>
        %jit3A_410 = arith.constant 65536 : i32
        %broadcast_in_dim3A_411 = vector.broadcast %jit3A_410 : i32 to vector<16xi32>
        %select_n3A_412 = arith.select %gt3A_403, %broadcast_in_dim3A_411, %select_n3A_409 : vector<16xi1>, vector<16xi32>
        %add3A_413 = arith.addi %add3A_396, %select_n3A_412 : vector<16xi32>
        %scan3A_414 = arith.constant 4 : i32
        %scan3A_415 = arith.addi %scan3A_347, %scan3A_414 : i32
        %mul3A_416 = arith.constant 16 : i32
        %mul3A_417 = arith.muli %scan3A_415, %mul3A_416 : i32
        %get3A_418 = arith.index_cast %mul3A_417 : i32 to index
        %get3A_419 = tpu.vector_load %arg7[%get3A_418] {strides = array<i32>} : memref<4096xf32, #tpu.memory_space<vmem>>, vector<16xf32>,
        %gt3A_420 = arith.cmpf ogt, %get3A_419, %broadcast_in_dim3A_221 : vector<16xf32>
        %eq3A_421 = arith.cmpf oeq, %get3A_419, %broadcast_in_dim3A_221 : vector<16xf32>
        %jit3A_422 = arith.constant 1 : i32
        %jit3A_423 = arith.constant 0 : i32
        %broadcast_in_dim3A_424 = vector.broadcast %jit3A_422 : i32 to vector<16xi32>
        %broadcast_in_dim3A_425 = vector.broadcast %jit3A_423 : i32 to vector<16xi32>
        %select_n3A_426 = arith.select %eq3A_421, %broadcast_in_dim3A_424, %broadcast_in_dim3A_425 : vector<16xi1>, vector<16xi32>
        %jit3A_427 = arith.constant 65536 : i32
        %broadcast_in_dim3A_428 = vector.broadcast %jit3A_427 : i32 to vector<16xi32>
        %select_n3A_429 = arith.select %gt3A_420, %broadcast_in_dim3A_428, %select_n3A_426 : vector<16xi1>, vector<16xi32>
        %add3A_430 = arith.addi %add3A_413, %select_n3A_429 : vector<16xi32>
        %scan3A_431 = arith.constant 5 : i32
        %scan3A_432 = arith.addi %scan3A_347, %scan3A_431 : i32
        %mul3A_433 = arith.constant 16 : i32
        %mul3A_434 = arith.muli %scan3A_432, %mul3A_433 : i32
        %get3A_435 = arith.index_cast %mul3A_434 : i32 to index
        %get3A_436 = tpu.vector_load %arg7[%get3A_435] {strides = array<i32>} : memref<4096xf32, #tpu.memory_space<vmem>>, vector<16xf32>,
        %gt3A_437 = arith.cmpf ogt, %get3A_436, %broadcast_in_dim3A_221 : vector<16xf32>
        %eq3A_438 = arith.cmpf oeq, %get3A_436, %broadcast_in_dim3A_221 : vector<16xf32>
        %jit3A_439 = arith.constant 1 : i32
        %jit3A_440 = arith.constant 0 : i32
        %broadcast_in_dim3A_441 = vector.broadcast %jit3A_439 : i32 to vector<16xi32>
        %broadcast_in_dim3A_442 = vector.broadcast %jit3A_440 : i32 to vector<16xi32>
        %select_n3A_443 = arith.select %eq3A_438, %broadcast_in_dim3A_441, %broadcast_in_dim3A_442 : vector<16xi1>, vector<16xi32>
        %jit3A_444 = arith.constant 65536 : i32
        %broadcast_in_dim3A_445 = vector.broadcast %jit3A_444 : i32 to vector<16xi32>
        %select_n3A_446 = arith.select %gt3A_437, %broadcast_in_dim3A_445, %select_n3A_443 : vector<16xi1>, vector<16xi32>
        %add3A_447 = arith.addi %add3A_430, %select_n3A_446 : vector<16xi32>
        %scan3A_448 = arith.constant 6 : i32
        %scan3A_449 = arith.addi %scan3A_347, %scan3A_448 : i32
        %mul3A_450 = arith.constant 16 : i32
        %mul3A_451 = arith.muli %scan3A_449, %mul3A_450 : i32
        %get3A_452 = arith.index_cast %mul3A_451 : i32 to index
        %get3A_453 = tpu.vector_load %arg7[%get3A_452] {strides = array<i32>} : memref<4096xf32, #tpu.memory_space<vmem>>, vector<16xf32>,
        %gt3A_454 = arith.cmpf ogt, %get3A_453, %broadcast_in_dim3A_221 : vector<16xf32>
        %eq3A_455 = arith.cmpf oeq, %get3A_453, %broadcast_in_dim3A_221 : vector<16xf32>
        %jit3A_456 = arith.constant 1 : i32
        %jit3A_457 = arith.constant 0 : i32
        %broadcast_in_dim3A_458 = vector.broadcast %jit3A_456 : i32 to vector<16xi32>
        %broadcast_in_dim3A_459 = vector.broadcast %jit3A_457 : i32 to vector<16xi32>
        %select_n3A_460 = arith.select %eq3A_455, %broadcast_in_dim3A_458, %broadcast_in_dim3A_459 : vector<16xi1>, vector<16xi32>
        %jit3A_461 = arith.constant 65536 : i32
        %broadcast_in_dim3A_462 = vector.broadcast %jit3A_461 : i32 to vector<16xi32>
        %select_n3A_463 = arith.select %gt3A_454, %broadcast_in_dim3A_462, %select_n3A_460 : vector<16xi1>, vector<16xi32>
        %add3A_464 = arith.addi %add3A_447, %select_n3A_463 : vector<16xi32>
        %scan3A_465 = arith.constant 7 : i32
        %scan3A_466 = arith.addi %scan3A_347, %scan3A_465 : i32
        %mul3A_467 = arith.constant 16 : i32
        %mul3A_468 = arith.muli %scan3A_466, %mul3A_467 : i32
        %get3A_469 = arith.index_cast %mul3A_468 : i32 to index
        %get3A_470 = tpu.vector_load %arg7[%get3A_469] {strides = array<i32>} : memref<4096xf32, #tpu.memory_space<vmem>>, vector<16xf32>,
        %gt3A_471 = arith.cmpf ogt, %get3A_470, %broadcast_in_dim3A_221 : vector<16xf32>
        %eq3A_472 = arith.cmpf oeq, %get3A_470, %broadcast_in_dim3A_221 : vector<16xf32>
        %jit3A_473 = arith.constant 1 : i32
        %jit3A_474 = arith.constant 0 : i32
        %broadcast_in_dim3A_475 = vector.broadcast %jit3A_473 : i32 to vector<16xi32>
        %broadcast_in_dim3A_476 = vector.broadcast %jit3A_474 : i32 to vector<16xi32>
        %select_n3A_477 = arith.select %eq3A_472, %broadcast_in_dim3A_475, %broadcast_in_dim3A_476 : vector<16xi1>, vector<16xi32>
        %jit3A_478 = arith.constant 65536 : i32
        %broadcast_in_dim3A_479 = vector.broadcast %jit3A_478 : i32 to vector<16xi32>
        %select_n3A_480 = arith.select %gt3A_471, %broadcast_in_dim3A_479, %select_n3A_477 : vector<16xi1>, vector<16xi32>
        %add3A_481 = arith.addi %add3A_464, %select_n3A_480 : vector<16xi32>
        scf.yield %add3A_481 : vector<16xi32>
      }
      %scan3A_344 = arith.constant 256 : i32
      %add3A_345 = arith.constant 1 : i32
      %add3A_346 = arith.addi %while3A_336, %add3A_345 : i32
      scf.yield %add3A_346, %scan3A_343 : i32, vector<16xi32>
    }
    %reduce_sum3A_226 = arith.constant true
    %reduce_sum3A_227 = vector.broadcast %reduce_sum3A_226 : i1 to vector<16xi1>
    %reduce_sum3A_228 = tpu.scan <sum>, %while3A_225#1 masked %reduce_sum3A_227 : vector<16xi32>, vector<16xi1> -> vector<16xi32>
    %reduce_sum3A_229 = vector.extract %reduce_sum3A_228[15] : i32 from vector<16xi32>
    %shift_right_arithmetic3A_230 = arith.constant 16 : i32
    %shift_right_arithmetic3A_231 = arith.shrsi %reduce_sum3A_229, %shift_right_arithmetic3A_230 : i32
    %and3A_232 = arith.constant 65535 : i32
    %and3A_233 = arith.andi %reduce_sum3A_229, %and3A_232 : i32
    %ne3A_234 = arith.constant 1 : i32
    %ne3A_235 = arith.cmpi ne, %and3A_233, %ne3A_234 : i32
    %lt3A_236 = arith.constant 5 : i32
    %lt3A_237 = arith.cmpi slt, %shift_right_arithmetic3A_231, %lt3A_236 : i32
    %and3A_238 = arith.andi %ne3A_235, %lt3A_237 : i1
    %convert_element_type3A_239 = arith.extui %and3A_238 : i1 to i32
    %cond3A_240 = arith.constant 0 : i32
    %cond3A_241 = arith.cmpi ne, %convert_element_type3A_239, %cond3A_240 : i32
    %cond3A_242 = scf.if %cond3A_241 -> (i32) {
      %broadcast_in_dim3A_336 = arith.constant 0 : i32
      %broadcast_in_dim3A_337 = vector.broadcast %broadcast_in_dim3A_336 : i32 to vector<16xi32>
      %scan3A = arith.constant 0 : i32
      %scan3A_338 = arith.constant 8 : i32
      %scan3A_339 = arith.addi %scan3A, %scan3A_338 : i32
      %scan3A_340 = arith.constant 1 : i32
      %scan3A_341 = scf.for %scan3A_347 = %scan3A to %scan3A_339 step %scan3A_340 iter_args(%scan3A_348 = %broadcast_in_dim3A_337) -> (vector<16xi32>)  : i32 {
        %mul3A_349 = arith.constant 4096 : i32
        %mul3A_350 = arith.muli %scan3A_347, %mul3A_349 : i32
        "tpu.region"() ({
          %run_scoped3A = tpu.sem_alloc : memref<!tpu.dma_semaphore, #tpu.memory_space<semaphore_mem>>
          %dma_start3A_357 = tpu.memref_slice %arg2[%add3A_182, %mul3A_350] : memref<128x32768xf32, #tpu.memory_space<hbm>> -> memref<1x4096xf32, #tpu.memory_space<hbm>>
          %dma_start3A_358 = tpu.memref_squeeze %dma_start3A_357 : memref<1x4096xf32, #tpu.memory_space<hbm>> -> memref<4096xf32, #tpu.memory_space<hbm>>
          %dma_start3A_359 = tpu.memref_slice %arg2[%add3A_182, %mul3A_350] : memref<128x32768xf32, #tpu.memory_space<hbm>> -> memref<1x4096xf32, #tpu.memory_space<hbm>>
          %dma_start3A_360 = tpu.memref_squeeze %dma_start3A_359 : memref<1x4096xf32, #tpu.memory_space<hbm>> -> memref<4096xf32, #tpu.memory_space<hbm>>
          tpu.enqueue_dma source(%dma_start3A_360 : memref<4096xf32, #tpu.memory_space<hbm>>) target(%arg7 : memref<4096xf32, #tpu.memory_space<vmem>>) target_semaphore(%run_scoped3A : memref<!tpu.dma_semaphore, #tpu.memory_space<semaphore_mem>>)
          %dma_wait3A_361 = tpu.memref_slice %arg2[%add3A_182, %mul3A_350] : memref<128x32768xf32, #tpu.memory_space<hbm>> -> memref<1x4096xf32, #tpu.memory_space<hbm>>
          %dma_wait3A_362 = tpu.memref_squeeze %dma_wait3A_361 : memref<1x4096xf32, #tpu.memory_space<hbm>> -> memref<4096xf32, #tpu.memory_space<hbm>>
          %dma_wait3A_363 = tpu.memref_slice %arg2[%add3A_182, %mul3A_350] : memref<128x32768xf32, #tpu.memory_space<hbm>> -> memref<1x4096xf32, #tpu.memory_space<hbm>>
          %dma_wait3A_364 = tpu.memref_squeeze %dma_wait3A_363 : memref<1x4096xf32, #tpu.memory_space<hbm>> -> memref<4096xf32, #tpu.memory_space<hbm>>
          tpu.wait_dma2 semaphore(%run_scoped3A : memref<!tpu.dma_semaphore, #tpu.memory_space<semaphore_mem>>) src(%dma_wait3A_364 : memref<4096xf32, #tpu.memory_space<hbm>>) dst(%arg7 : memref<4096xf32, #tpu.memory_space<vmem>>)
          tpu.yield
        }) : () -> ()
        %scan3A_351 = arith.constant 0 : i32
        %scan3A_352 = arith.constant 256 : i32
        %scan3A_353 = arith.addi %scan3A_351, %scan3A_352 : i32
        %scan3A_354 = arith.constant 1 : i32
        %scan3A_355 = scf.for %scan3A_357 = %scan3A_351 to %scan3A_353 step %scan3A_354 iter_args(%scan3A_358 = %scan3A_348) -> (vector<16xi32>)  : i32 {
          %mul3A_359 = arith.constant 16 : i32
          %mul3A_360 = arith.muli %scan3A_357, %mul3A_359 : i32
          %get3A_361 = arith.index_cast %mul3A_360 : i32 to index
          %get3A_362 = tpu.vector_load %arg7[%get3A_361] {strides = array<i32>} : memref<4096xf32, #tpu.memory_space<vmem>>, vector<16xf32>,
          %mul3A_363 = arith.constant 4096 : i32
          %mul3A_364 = arith.muli %scan3A_347, %mul3A_363 : i32
          %mul3A_365 = arith.constant 16 : i32
          %mul3A_366 = arith.muli %scan3A_357, %mul3A_365 : i32
          %add3A_367 = arith.addi %mul3A_364, %mul3A_366 : i32
          %add3A_368 = vector.broadcast %add3A_367 : i32 to vector<16xi32>
          %add3A_369 = arith.addi %add3A_368, %iota3A : vector<16xi32>
          %eq3A_370 = arith.cmpf oeq, %get3A_362, %broadcast_in_dim3A_221 : vector<16xf32>
          %lt3A_371 = vector.broadcast %reduce_max3A_178 : i32 to vector<16xi32>
          %lt3A_372 = arith.cmpi slt, %add3A_369, %lt3A_371 : vector<16xi32>
          %and3A_373 = arith.andi %eq3A_370, %lt3A_372 : vector<16xi1>
          %jit3A_374 = arith.constant 1 : i32
          %jit3A_375 = arith.constant 0 : i32
          %broadcast_in_dim3A_376 = vector.broadcast %jit3A_374 : i32 to vector<16xi32>
          %broadcast_in_dim3A_377 = vector.broadcast %jit3A_375 : i32 to vector<16xi32>
          %select_n3A_378 = arith.select %and3A_373, %broadcast_in_dim3A_376, %broadcast_in_dim3A_377 : vector<16xi1>, vector<16xi32>
          %add3A_379 = arith.addi %scan3A_358, %select_n3A_378 : vector<16xi32>
          scf.yield %add3A_379 : vector<16xi32>
        }
        %scan3A_356 = arith.constant 256 : i32
        scf.yield %scan3A_355 : vector<16xi32>
      }
      %scan3A_342 = arith.constant 8 : i32
      %reduce_sum3A_343 = arith.constant true
      %reduce_sum3A_344 = vector.broadcast %reduce_sum3A_343 : i1 to vector<16xi1>
      %reduce_sum3A_345 = tpu.scan <sum>, %scan3A_341 masked %reduce_sum3A_344 : vector<16xi32>, vector<16xi1> -> vector<16xi32>
      %reduce_sum3A_346 = vector.extract %reduce_sum3A_345[15] : i32 from vector<16xi32>
      scf.yield %reduce_sum3A_346 : i32
    } else {
      %cond3A_336 = arith.constant 0 : i32
      scf.yield %cond3A_336 : i32
    }
    %add3A_243 = arith.addi %shift_right_arithmetic3A_231, %cond3A_242 : i32
    %lt3A_244 = arith.constant 5 : i32
    %lt3A_245 = arith.cmpi slt, %add3A_243, %lt3A_244 : i32
    %convert_element_type3A_246 = arith.extui %lt3A_245 : i1 to i32
    %convert_element_type3A_247 = arith.sitofp %convert_element_type3A_246 : i32 to f32
    %broadcast_in_dim3A_248 = vector.broadcast %convert_element_type3A_247 : f32 to vector<16xf32>
    %select_n3A_249 = arith.select %eq3A_167, %broadcast_in_dim3A_248, %select_n3A_164 : vector<16xi1>, vector<16xf32>
    %eq3A_250 = arith.constant 3 : i32
    %eq3A_251 = vector.broadcast %eq3A_250 : i32 to vector<16xi32>
    %eq3A_252 = arith.cmpi eq, %iota3A, %eq3A_251 : vector<16xi32>
    %jit3A_253 = arith.constant -1 : i32
    %broadcast_in_dim3A_254 = vector.broadcast %jit3A_253 : i32 to vector<16xi32>
    %select_n3A_255 = arith.select %eq3A_252, %get3A_9, %broadcast_in_dim3A_254 : vector<16xi1>, vector<16xi32>
    %reduce_max3A_256 = arith.constant true
    %reduce_max3A_257 = vector.broadcast %reduce_max3A_256 : i1 to vector<16xi1>
    %reduce_max3A_258 = arith.constant -2147483648 : i32
    %reduce_max3A_259 = vector.broadcast %reduce_max3A_258 : i32 to vector<16xi32>
    %reduce_max3A_260 = arith.xori %select_n3A_255, %reduce_max3A_259 : vector<16xi32>
    %reduce_max3A_261 = tpu.scan <max>, %reduce_max3A_260 masked %reduce_max3A_257 : vector<16xi32>, vector<16xi1> -> vector<16xi32>
    %reduce_max3A_262 = arith.xori %reduce_max3A_261, %reduce_max3A_259 : vector<16xi32>
    %reduce_max3A_263 = vector.extract %reduce_max3A_262[15] : i32 from vector<16xi32>
    %mul3A_264 = arith.constant 4 : i32
    %mul3A_265 = arith.muli %add3A, %mul3A_264 : i32
    %add3A_266 = arith.constant 3 : i32
    %add3A_267 = arith.addi %mul3A_265, %add3A_266 : i32
    %jit3A_268 = arith.constant 16 : i32
    %div3A_269 = arith.divsi %reduce_max3A_263, %jit3A_268 : i32
    %sign3A_270 = arith.constant 0 : i32
    %sign3A_271 = arith.cmpi sgt, %reduce_max3A_263, %sign3A_270 : i32
    %sign3A_272 = arith.extui %sign3A_271 : i1 to i32
    %sign3A_273 = arith.constant 0 : i32
    %sign3A_274 = arith.cmpi slt, %reduce_max3A_263, %sign3A_273 : i32
    %sign3A_275 = arith.extui %sign3A_274 : i1 to i32
    %sign3A_276 = arith.subi %sign3A_272, %sign3A_275 : i32
    %sign3A_277 = arith.constant 0 : i32
    %sign3A_278 = arith.cmpi sgt, %jit3A_268, %sign3A_277 : i32
    %sign3A_279 = arith.extui %sign3A_278 : i1 to i32
    %sign3A_280 = arith.constant 0 : i32
    %sign3A_281 = arith.cmpi slt, %jit3A_268, %sign3A_280 : i32
    %sign3A_282 = arith.extui %sign3A_281 : i1 to i32
    %sign3A_283 = arith.subi %sign3A_279, %sign3A_282 : i32
    %ne3A_284 = arith.cmpi ne, %sign3A_276, %sign3A_283 : i32
    %rem3A_285 = arith.remsi %reduce_max3A_263, %jit3A_268 : i32
    %ne3A_286 = arith.constant 0 : i32
    %ne3A_287 = arith.cmpi ne, %rem3A_285, %ne3A_286 : i32
    %and3A_288 = arith.andi %ne3A_284, %ne3A_287 : i1
    %sub3A_289 = arith.constant 1 : i32
    %sub3A_290 = arith.subi %div3A_269, %sub3A_289 : i32
    %select_n3A_291 = arith.select %and3A_288, %sub3A_290, %div3A_269 : i32
    %mul3A_292 = arith.constant 16 : i32
    %mul3A_293 = arith.muli %select_n3A_291, %mul3A_292 : i32
    "tpu.region"() ({
      %run_scoped3A = tpu.sem_alloc : memref<!tpu.dma_semaphore, #tpu.memory_space<semaphore_mem>>
      %dma_start3A_336 = tpu.memref_slice %arg2[%add3A_267, %mul3A_293] : memref<128x32768xf32, #tpu.memory_space<hbm>> -> memref<1x16xf32, #tpu.memory_space<hbm>>
      %dma_start3A_337 = tpu.memref_squeeze %dma_start3A_336 : memref<1x16xf32, #tpu.memory_space<hbm>> -> memref<16xf32, #tpu.memory_space<hbm>>
      %dma_start3A_338 = tpu.memref_slice %arg2[%add3A_267, %mul3A_293] : memref<128x32768xf32, #tpu.memory_space<hbm>> -> memref<1x16xf32, #tpu.memory_space<hbm>>
      %dma_start3A_339 = tpu.memref_squeeze %dma_start3A_338 : memref<1x16xf32, #tpu.memory_space<hbm>> -> memref<16xf32, #tpu.memory_space<hbm>>
      tpu.enqueue_dma source(%dma_start3A_339 : memref<16xf32, #tpu.memory_space<hbm>>) target(%arg6 : memref<16xf32, #tpu.memory_space<vmem>>) target_semaphore(%run_scoped3A : memref<!tpu.dma_semaphore, #tpu.memory_space<semaphore_mem>>)
      %dma_wait3A_340 = tpu.memref_slice %arg2[%add3A_267, %mul3A_293] : memref<128x32768xf32, #tpu.memory_space<hbm>> -> memref<1x16xf32, #tpu.memory_space<hbm>>
      %dma_wait3A_341 = tpu.memref_squeeze %dma_wait3A_340 : memref<1x16xf32, #tpu.memory_space<hbm>> -> memref<16xf32, #tpu.memory_space<hbm>>
      %dma_wait3A_342 = tpu.memref_slice %arg2[%add3A_267, %mul3A_293] : memref<128x32768xf32, #tpu.memory_space<hbm>> -> memref<1x16xf32, #tpu.memory_space<hbm>>
      %dma_wait3A_343 = tpu.memref_squeeze %dma_wait3A_342 : memref<1x16xf32, #tpu.memory_space<hbm>> -> memref<16xf32, #tpu.memory_space<hbm>>
      tpu.wait_dma2 semaphore(%run_scoped3A : memref<!tpu.dma_semaphore, #tpu.memory_space<semaphore_mem>>) src(%dma_wait3A_343 : memref<16xf32, #tpu.memory_space<hbm>>) dst(%arg6 : memref<16xf32, #tpu.memory_space<vmem>>)
      tpu.yield
    }) : () -> ()
    %sub3A_294 = arith.subi %reduce_max3A_263, %mul3A_293 : i32
    %eq3A_295 = vector.broadcast %sub3A_294 : i32 to vector<16xi32>
    %eq3A_296 = arith.cmpi eq, %iota3A, %eq3A_295 : vector<16xi32>
    %get3A_297 = arith.constant 0 : index
    %get3A_298 = tpu.vector_load %arg6[%get3A_297] {strides = array<i32>} : memref<16xf32, #tpu.memory_space<vmem>>, vector<16xf32>,
    %jit3A_299 = arith.constant 0xFF800000 : f32
    %broadcast_in_dim3A_300 = vector.broadcast %jit3A_299 : f32 to vector<16xf32>
    %select_n3A_301 = arith.select %eq3A_296, %get3A_298, %broadcast_in_dim3A_300 : vector<16xi1>, vector<16xf32>
    %reduce_max3A_302 = arith.constant true
    %reduce_max3A_303 = vector.broadcast %reduce_max3A_302 : i1 to vector<16xi1>
    %reduce_max3A_304 = tpu.scan <max>, %select_n3A_301 masked %reduce_max3A_303 : vector<16xf32>, vector<16xi1> -> vector<16xf32>
    %reduce_max3A_305 = vector.extract %reduce_max3A_304[15] : f32 from vector<16xf32>
    %broadcast_in_dim3A_306 = vector.broadcast %reduce_max3A_305 : f32 to vector<16xf32>
    %broadcast_in_dim3A_307 = arith.constant 0 : i32
    %broadcast_in_dim3A_308 = vector.broadcast %broadcast_in_dim3A_307 : i32 to vector<16xi32>
    %while3A_309 = arith.constant 0 : i32
    %while3A_310:2 = scf.while (%while3A_336 = %while3A_309, %while3A_337 = %broadcast_in_dim3A_308) : (i32, vector<16xi32>) -> (i32, vector<16xi32>) {
      %reduce_sum3A_338 = arith.constant true
      %reduce_sum3A_339 = vector.broadcast %reduce_sum3A_338 : i1 to vector<16xi1>
      %reduce_sum3A_340 = tpu.scan <sum>, %while3A_337 masked %reduce_sum3A_339 : vector<16xi32>, vector<16xi1> -> vector<16xi32>
      %reduce_sum3A_341 = vector.extract %reduce_sum3A_340[15] : i32 from vector<16xi32>
      %lt3A_342 = arith.constant 8 : i32
      %lt3A_343 = arith.cmpi slt, %while3A_336, %lt3A_342 : i32
      %shift_right_arithmetic3A_344 = arith.constant 16 : i32
      %shift_right_arithmetic3A_345 = arith.shrsi %reduce_sum3A_341, %shift_right_arithmetic3A_344 : i32
      %lt3A_346 = arith.constant 5 : i32
      %lt3A_347 = arith.cmpi slt, %shift_right_arithmetic3A_345, %lt3A_346 : i32
      %and3A_348 = arith.andi %lt3A_343, %lt3A_347 : i1
      scf.condition(%and3A_348) %while3A_336, %while3A_337 : i32, vector<16xi32>
    } do {
    ^bb0(%while3A_336: i32, %while3A_337: vector<16xi32>):
      %mul3A_338 = arith.constant 4096 : i32
      %mul3A_339 = arith.muli %while3A_336, %mul3A_338 : i32
      "tpu.region"() ({
        %run_scoped3A = tpu.sem_alloc : memref<!tpu.dma_semaphore, #tpu.memory_space<semaphore_mem>>
        %dma_start3A_347 = tpu.memref_slice %arg2[%add3A_267, %mul3A_339] : memref<128x32768xf32, #tpu.memory_space<hbm>> -> memref<1x4096xf32, #tpu.memory_space<hbm>>
        %dma_start3A_348 = tpu.memref_squeeze %dma_start3A_347 : memref<1x4096xf32, #tpu.memory_space<hbm>> -> memref<4096xf32, #tpu.memory_space<hbm>>
        %dma_start3A_349 = tpu.memref_slice %arg2[%add3A_267, %mul3A_339] : memref<128x32768xf32, #tpu.memory_space<hbm>> -> memref<1x4096xf32, #tpu.memory_space<hbm>>
        %dma_start3A_350 = tpu.memref_squeeze %dma_start3A_349 : memref<1x4096xf32, #tpu.memory_space<hbm>> -> memref<4096xf32, #tpu.memory_space<hbm>>
        tpu.enqueue_dma source(%dma_start3A_350 : memref<4096xf32, #tpu.memory_space<hbm>>) target(%arg7 : memref<4096xf32, #tpu.memory_space<vmem>>) target_semaphore(%run_scoped3A : memref<!tpu.dma_semaphore, #tpu.memory_space<semaphore_mem>>)
        %dma_wait3A_351 = tpu.memref_slice %arg2[%add3A_267, %mul3A_339] : memref<128x32768xf32, #tpu.memory_space<hbm>> -> memref<1x4096xf32, #tpu.memory_space<hbm>>
        %dma_wait3A_352 = tpu.memref_squeeze %dma_wait3A_351 : memref<1x4096xf32, #tpu.memory_space<hbm>> -> memref<4096xf32, #tpu.memory_space<hbm>>
        %dma_wait3A_353 = tpu.memref_slice %arg2[%add3A_267, %mul3A_339] : memref<128x32768xf32, #tpu.memory_space<hbm>> -> memref<1x4096xf32, #tpu.memory_space<hbm>>
        %dma_wait3A_354 = tpu.memref_squeeze %dma_wait3A_353 : memref<1x4096xf32, #tpu.memory_space<hbm>> -> memref<4096xf32, #tpu.memory_space<hbm>>
        tpu.wait_dma2 semaphore(%run_scoped3A : memref<!tpu.dma_semaphore, #tpu.memory_space<semaphore_mem>>) src(%dma_wait3A_354 : memref<4096xf32, #tpu.memory_space<hbm>>) dst(%arg7 : memref<4096xf32, #tpu.memory_space<vmem>>)
        tpu.yield
      }) : () -> ()
      %scan3A = arith.constant 0 : i32
      %scan3A_340 = arith.constant 256 : i32
      %scan3A_341 = arith.addi %scan3A, %scan3A_340 : i32
      %scan3A_342 = arith.constant 8 : i32
      %scan3A_343 = scf.for %scan3A_347 = %scan3A to %scan3A_341 step %scan3A_342 iter_args(%scan3A_348 = %while3A_337) -> (vector<16xi32>)  : i32 {
        %mul3A_349 = arith.constant 16 : i32
        %mul3A_350 = arith.muli %scan3A_347, %mul3A_349 : i32
        %get3A_351 = arith.index_cast %mul3A_350 : i32 to index
        %get3A_352 = tpu.vector_load %arg7[%get3A_351] {strides = array<i32>} : memref<4096xf32, #tpu.memory_space<vmem>>, vector<16xf32>,
        %gt3A = arith.cmpf ogt, %get3A_352, %broadcast_in_dim3A_306 : vector<16xf32>
        %eq3A_353 = arith.cmpf oeq, %get3A_352, %broadcast_in_dim3A_306 : vector<16xf32>
        %jit3A_354 = arith.constant 1 : i32
        %jit3A_355 = arith.constant 0 : i32
        %broadcast_in_dim3A_356 = vector.broadcast %jit3A_354 : i32 to vector<16xi32>
        %broadcast_in_dim3A_357 = vector.broadcast %jit3A_355 : i32 to vector<16xi32>
        %select_n3A_358 = arith.select %eq3A_353, %broadcast_in_dim3A_356, %broadcast_in_dim3A_357 : vector<16xi1>, vector<16xi32>
        %jit3A_359 = arith.constant 65536 : i32
        %broadcast_in_dim3A_360 = vector.broadcast %jit3A_359 : i32 to vector<16xi32>
        %select_n3A_361 = arith.select %gt3A, %broadcast_in_dim3A_360, %select_n3A_358 : vector<16xi1>, vector<16xi32>
        %add3A_362 = arith.addi %scan3A_348, %select_n3A_361 : vector<16xi32>
        %scan3A_363 = arith.constant 1 : i32
        %scan3A_364 = arith.addi %scan3A_347, %scan3A_363 : i32
        %mul3A_365 = arith.constant 16 : i32
        %mul3A_366 = arith.muli %scan3A_364, %mul3A_365 : i32
        %get3A_367 = arith.index_cast %mul3A_366 : i32 to index
        %get3A_368 = tpu.vector_load %arg7[%get3A_367] {strides = array<i32>} : memref<4096xf32, #tpu.memory_space<vmem>>, vector<16xf32>,
        %gt3A_369 = arith.cmpf ogt, %get3A_368, %broadcast_in_dim3A_306 : vector<16xf32>
        %eq3A_370 = arith.cmpf oeq, %get3A_368, %broadcast_in_dim3A_306 : vector<16xf32>
        %jit3A_371 = arith.constant 1 : i32
        %jit3A_372 = arith.constant 0 : i32
        %broadcast_in_dim3A_373 = vector.broadcast %jit3A_371 : i32 to vector<16xi32>
        %broadcast_in_dim3A_374 = vector.broadcast %jit3A_372 : i32 to vector<16xi32>
        %select_n3A_375 = arith.select %eq3A_370, %broadcast_in_dim3A_373, %broadcast_in_dim3A_374 : vector<16xi1>, vector<16xi32>
        %jit3A_376 = arith.constant 65536 : i32
        %broadcast_in_dim3A_377 = vector.broadcast %jit3A_376 : i32 to vector<16xi32>
        %select_n3A_378 = arith.select %gt3A_369, %broadcast_in_dim3A_377, %select_n3A_375 : vector<16xi1>, vector<16xi32>
        %add3A_379 = arith.addi %add3A_362, %select_n3A_378 : vector<16xi32>
        %scan3A_380 = arith.constant 2 : i32
        %scan3A_381 = arith.addi %scan3A_347, %scan3A_380 : i32
        %mul3A_382 = arith.constant 16 : i32
        %mul3A_383 = arith.muli %scan3A_381, %mul3A_382 : i32
        %get3A_384 = arith.index_cast %mul3A_383 : i32 to index
        %get3A_385 = tpu.vector_load %arg7[%get3A_384] {strides = array<i32>} : memref<4096xf32, #tpu.memory_space<vmem>>, vector<16xf32>,
        %gt3A_386 = arith.cmpf ogt, %get3A_385, %broadcast_in_dim3A_306 : vector<16xf32>
        %eq3A_387 = arith.cmpf oeq, %get3A_385, %broadcast_in_dim3A_306 : vector<16xf32>
        %jit3A_388 = arith.constant 1 : i32
        %jit3A_389 = arith.constant 0 : i32
        %broadcast_in_dim3A_390 = vector.broadcast %jit3A_388 : i32 to vector<16xi32>
        %broadcast_in_dim3A_391 = vector.broadcast %jit3A_389 : i32 to vector<16xi32>
        %select_n3A_392 = arith.select %eq3A_387, %broadcast_in_dim3A_390, %broadcast_in_dim3A_391 : vector<16xi1>, vector<16xi32>
        %jit3A_393 = arith.constant 65536 : i32
        %broadcast_in_dim3A_394 = vector.broadcast %jit3A_393 : i32 to vector<16xi32>
        %select_n3A_395 = arith.select %gt3A_386, %broadcast_in_dim3A_394, %select_n3A_392 : vector<16xi1>, vector<16xi32>
        %add3A_396 = arith.addi %add3A_379, %select_n3A_395 : vector<16xi32>
        %scan3A_397 = arith.constant 3 : i32
        %scan3A_398 = arith.addi %scan3A_347, %scan3A_397 : i32
        %mul3A_399 = arith.constant 16 : i32
        %mul3A_400 = arith.muli %scan3A_398, %mul3A_399 : i32
        %get3A_401 = arith.index_cast %mul3A_400 : i32 to index
        %get3A_402 = tpu.vector_load %arg7[%get3A_401] {strides = array<i32>} : memref<4096xf32, #tpu.memory_space<vmem>>, vector<16xf32>,
        %gt3A_403 = arith.cmpf ogt, %get3A_402, %broadcast_in_dim3A_306 : vector<16xf32>
        %eq3A_404 = arith.cmpf oeq, %get3A_402, %broadcast_in_dim3A_306 : vector<16xf32>
        %jit3A_405 = arith.constant 1 : i32
        %jit3A_406 = arith.constant 0 : i32
        %broadcast_in_dim3A_407 = vector.broadcast %jit3A_405 : i32 to vector<16xi32>
        %broadcast_in_dim3A_408 = vector.broadcast %jit3A_406 : i32 to vector<16xi32>
        %select_n3A_409 = arith.select %eq3A_404, %broadcast_in_dim3A_407, %broadcast_in_dim3A_408 : vector<16xi1>, vector<16xi32>
        %jit3A_410 = arith.constant 65536 : i32
        %broadcast_in_dim3A_411 = vector.broadcast %jit3A_410 : i32 to vector<16xi32>
        %select_n3A_412 = arith.select %gt3A_403, %broadcast_in_dim3A_411, %select_n3A_409 : vector<16xi1>, vector<16xi32>
        %add3A_413 = arith.addi %add3A_396, %select_n3A_412 : vector<16xi32>
        %scan3A_414 = arith.constant 4 : i32
        %scan3A_415 = arith.addi %scan3A_347, %scan3A_414 : i32
        %mul3A_416 = arith.constant 16 : i32
        %mul3A_417 = arith.muli %scan3A_415, %mul3A_416 : i32
        %get3A_418 = arith.index_cast %mul3A_417 : i32 to index
        %get3A_419 = tpu.vector_load %arg7[%get3A_418] {strides = array<i32>} : memref<4096xf32, #tpu.memory_space<vmem>>, vector<16xf32>,
        %gt3A_420 = arith.cmpf ogt, %get3A_419, %broadcast_in_dim3A_306 : vector<16xf32>
        %eq3A_421 = arith.cmpf oeq, %get3A_419, %broadcast_in_dim3A_306 : vector<16xf32>
        %jit3A_422 = arith.constant 1 : i32
        %jit3A_423 = arith.constant 0 : i32
        %broadcast_in_dim3A_424 = vector.broadcast %jit3A_422 : i32 to vector<16xi32>
        %broadcast_in_dim3A_425 = vector.broadcast %jit3A_423 : i32 to vector<16xi32>
        %select_n3A_426 = arith.select %eq3A_421, %broadcast_in_dim3A_424, %broadcast_in_dim3A_425 : vector<16xi1>, vector<16xi32>
        %jit3A_427 = arith.constant 65536 : i32
        %broadcast_in_dim3A_428 = vector.broadcast %jit3A_427 : i32 to vector<16xi32>
        %select_n3A_429 = arith.select %gt3A_420, %broadcast_in_dim3A_428, %select_n3A_426 : vector<16xi1>, vector<16xi32>
        %add3A_430 = arith.addi %add3A_413, %select_n3A_429 : vector<16xi32>
        %scan3A_431 = arith.constant 5 : i32
        %scan3A_432 = arith.addi %scan3A_347, %scan3A_431 : i32
        %mul3A_433 = arith.constant 16 : i32
        %mul3A_434 = arith.muli %scan3A_432, %mul3A_433 : i32
        %get3A_435 = arith.index_cast %mul3A_434 : i32 to index
        %get3A_436 = tpu.vector_load %arg7[%get3A_435] {strides = array<i32>} : memref<4096xf32, #tpu.memory_space<vmem>>, vector<16xf32>,
        %gt3A_437 = arith.cmpf ogt, %get3A_436, %broadcast_in_dim3A_306 : vector<16xf32>
        %eq3A_438 = arith.cmpf oeq, %get3A_436, %broadcast_in_dim3A_306 : vector<16xf32>
        %jit3A_439 = arith.constant 1 : i32
        %jit3A_440 = arith.constant 0 : i32
        %broadcast_in_dim3A_441 = vector.broadcast %jit3A_439 : i32 to vector<16xi32>
        %broadcast_in_dim3A_442 = vector.broadcast %jit3A_440 : i32 to vector<16xi32>
        %select_n3A_443 = arith.select %eq3A_438, %broadcast_in_dim3A_441, %broadcast_in_dim3A_442 : vector<16xi1>, vector<16xi32>
        %jit3A_444 = arith.constant 65536 : i32
        %broadcast_in_dim3A_445 = vector.broadcast %jit3A_444 : i32 to vector<16xi32>
        %select_n3A_446 = arith.select %gt3A_437, %broadcast_in_dim3A_445, %select_n3A_443 : vector<16xi1>, vector<16xi32>
        %add3A_447 = arith.addi %add3A_430, %select_n3A_446 : vector<16xi32>
        %scan3A_448 = arith.constant 6 : i32
        %scan3A_449 = arith.addi %scan3A_347, %scan3A_448 : i32
        %mul3A_450 = arith.constant 16 : i32
        %mul3A_451 = arith.muli %scan3A_449, %mul3A_450 : i32
        %get3A_452 = arith.index_cast %mul3A_451 : i32 to index
        %get3A_453 = tpu.vector_load %arg7[%get3A_452] {strides = array<i32>} : memref<4096xf32, #tpu.memory_space<vmem>>, vector<16xf32>,
        %gt3A_454 = arith.cmpf ogt, %get3A_453, %broadcast_in_dim3A_306 : vector<16xf32>
        %eq3A_455 = arith.cmpf oeq, %get3A_453, %broadcast_in_dim3A_306 : vector<16xf32>
        %jit3A_456 = arith.constant 1 : i32
        %jit3A_457 = arith.constant 0 : i32
        %broadcast_in_dim3A_458 = vector.broadcast %jit3A_456 : i32 to vector<16xi32>
        %broadcast_in_dim3A_459 = vector.broadcast %jit3A_457 : i32 to vector<16xi32>
        %select_n3A_460 = arith.select %eq3A_455, %broadcast_in_dim3A_458, %broadcast_in_dim3A_459 : vector<16xi1>, vector<16xi32>
        %jit3A_461 = arith.constant 65536 : i32
        %broadcast_in_dim3A_462 = vector.broadcast %jit3A_461 : i32 to vector<16xi32>
        %select_n3A_463 = arith.select %gt3A_454, %broadcast_in_dim3A_462, %select_n3A_460 : vector<16xi1>, vector<16xi32>
        %add3A_464 = arith.addi %add3A_447, %select_n3A_463 : vector<16xi32>
        %scan3A_465 = arith.constant 7 : i32
        %scan3A_466 = arith.addi %scan3A_347, %scan3A_465 : i32
        %mul3A_467 = arith.constant 16 : i32
        %mul3A_468 = arith.muli %scan3A_466, %mul3A_467 : i32
        %get3A_469 = arith.index_cast %mul3A_468 : i32 to index
        %get3A_470 = tpu.vector_load %arg7[%get3A_469] {strides = array<i32>} : memref<4096xf32, #tpu.memory_space<vmem>>, vector<16xf32>,
        %gt3A_471 = arith.cmpf ogt, %get3A_470, %broadcast_in_dim3A_306 : vector<16xf32>
        %eq3A_472 = arith.cmpf oeq, %get3A_470, %broadcast_in_dim3A_306 : vector<16xf32>
        %jit3A_473 = arith.constant 1 : i32
        %jit3A_474 = arith.constant 0 : i32
        %broadcast_in_dim3A_475 = vector.broadcast %jit3A_473 : i32 to vector<16xi32>
        %broadcast_in_dim3A_476 = vector.broadcast %jit3A_474 : i32 to vector<16xi32>
        %select_n3A_477 = arith.select %eq3A_472, %broadcast_in_dim3A_475, %broadcast_in_dim3A_476 : vector<16xi1>, vector<16xi32>
        %jit3A_478 = arith.constant 65536 : i32
        %broadcast_in_dim3A_479 = vector.broadcast %jit3A_478 : i32 to vector<16xi32>
        %select_n3A_480 = arith.select %gt3A_471, %broadcast_in_dim3A_479, %select_n3A_477 : vector<16xi1>, vector<16xi32>
        %add3A_481 = arith.addi %add3A_464, %select_n3A_480 : vector<16xi32>
        scf.yield %add3A_481 : vector<16xi32>
      }
      %scan3A_344 = arith.constant 256 : i32
      %add3A_345 = arith.constant 1 : i32
      %add3A_346 = arith.addi %while3A_336, %add3A_345 : i32
      scf.yield %add3A_346, %scan3A_343 : i32, vector<16xi32>
    }
    %reduce_sum3A_311 = arith.constant true
    %reduce_sum3A_312 = vector.broadcast %reduce_sum3A_311 : i1 to vector<16xi1>
    %reduce_sum3A_313 = tpu.scan <sum>, %while3A_310#1 masked %reduce_sum3A_312 : vector<16xi32>, vector<16xi1> -> vector<16xi32>
    %reduce_sum3A_314 = vector.extract %reduce_sum3A_313[15] : i32 from vector<16xi32>
    %shift_right_arithmetic3A_315 = arith.constant 16 : i32
    %shift_right_arithmetic3A_316 = arith.shrsi %reduce_sum3A_314, %shift_right_arithmetic3A_315 : i32
    %and3A_317 = arith.constant 65535 : i32
    %and3A_318 = arith.andi %reduce_sum3A_314, %and3A_317 : i32
    %ne3A_319 = arith.constant 1 : i32
    %ne3A_320 = arith.cmpi ne, %and3A_318, %ne3A_319 : i32
    %lt3A_321 = arith.constant 5 : i32
    %lt3A_322 = arith.cmpi slt, %shift_right_arithmetic3A_316, %lt3A_321 : i32
    %and3A_323 = arith.andi %ne3A_320, %lt3A_322 : i1
    %convert_element_type3A_324 = arith.extui %and3A_323 : i1 to i32
    %cond3A_325 = arith.constant 0 : i32
    %cond3A_326 = arith.cmpi ne, %convert_element_type3A_324, %cond3A_325 : i32
    %cond3A_327 = scf.if %cond3A_326 -> (i32) {
      %broadcast_in_dim3A_336 = arith.constant 0 : i32
      %broadcast_in_dim3A_337 = vector.broadcast %broadcast_in_dim3A_336 : i32 to vector<16xi32>
      %scan3A = arith.constant 0 : i32
      %scan3A_338 = arith.constant 8 : i32
      %scan3A_339 = arith.addi %scan3A, %scan3A_338 : i32
      %scan3A_340 = arith.constant 1 : i32
      %scan3A_341 = scf.for %scan3A_347 = %scan3A to %scan3A_339 step %scan3A_340 iter_args(%scan3A_348 = %broadcast_in_dim3A_337) -> (vector<16xi32>)  : i32 {
        %mul3A_349 = arith.constant 4096 : i32
        %mul3A_350 = arith.muli %scan3A_347, %mul3A_349 : i32
        "tpu.region"() ({
          %run_scoped3A = tpu.sem_alloc : memref<!tpu.dma_semaphore, #tpu.memory_space<semaphore_mem>>
          %dma_start3A_357 = tpu.memref_slice %arg2[%add3A_267, %mul3A_350] : memref<128x32768xf32, #tpu.memory_space<hbm>> -> memref<1x4096xf32, #tpu.memory_space<hbm>>
          %dma_start3A_358 = tpu.memref_squeeze %dma_start3A_357 : memref<1x4096xf32, #tpu.memory_space<hbm>> -> memref<4096xf32, #tpu.memory_space<hbm>>
          %dma_start3A_359 = tpu.memref_slice %arg2[%add3A_267, %mul3A_350] : memref<128x32768xf32, #tpu.memory_space<hbm>> -> memref<1x4096xf32, #tpu.memory_space<hbm>>
          %dma_start3A_360 = tpu.memref_squeeze %dma_start3A_359 : memref<1x4096xf32, #tpu.memory_space<hbm>> -> memref<4096xf32, #tpu.memory_space<hbm>>
          tpu.enqueue_dma source(%dma_start3A_360 : memref<4096xf32, #tpu.memory_space<hbm>>) target(%arg7 : memref<4096xf32, #tpu.memory_space<vmem>>) target_semaphore(%run_scoped3A : memref<!tpu.dma_semaphore, #tpu.memory_space<semaphore_mem>>)
          %dma_wait3A_361 = tpu.memref_slice %arg2[%add3A_267, %mul3A_350] : memref<128x32768xf32, #tpu.memory_space<hbm>> -> memref<1x4096xf32, #tpu.memory_space<hbm>>
          %dma_wait3A_362 = tpu.memref_squeeze %dma_wait3A_361 : memref<1x4096xf32, #tpu.memory_space<hbm>> -> memref<4096xf32, #tpu.memory_space<hbm>>
          %dma_wait3A_363 = tpu.memref_slice %arg2[%add3A_267, %mul3A_350] : memref<128x32768xf32, #tpu.memory_space<hbm>> -> memref<1x4096xf32, #tpu.memory_space<hbm>>
          %dma_wait3A_364 = tpu.memref_squeeze %dma_wait3A_363 : memref<1x4096xf32, #tpu.memory_space<hbm>> -> memref<4096xf32, #tpu.memory_space<hbm>>
          tpu.wait_dma2 semaphore(%run_scoped3A : memref<!tpu.dma_semaphore, #tpu.memory_space<semaphore_mem>>) src(%dma_wait3A_364 : memref<4096xf32, #tpu.memory_space<hbm>>) dst(%arg7 : memref<4096xf32, #tpu.memory_space<vmem>>)
          tpu.yield
        }) : () -> ()
        %scan3A_351 = arith.constant 0 : i32
        %scan3A_352 = arith.constant 256 : i32
        %scan3A_353 = arith.addi %scan3A_351, %scan3A_352 : i32
        %scan3A_354 = arith.constant 1 : i32
        %scan3A_355 = scf.for %scan3A_357 = %scan3A_351 to %scan3A_353 step %scan3A_354 iter_args(%scan3A_358 = %scan3A_348) -> (vector<16xi32>)  : i32 {
          %mul3A_359 = arith.constant 16 : i32
          %mul3A_360 = arith.muli %scan3A_357, %mul3A_359 : i32
          %get3A_361 = arith.index_cast %mul3A_360 : i32 to index
          %get3A_362 = tpu.vector_load %arg7[%get3A_361] {strides = array<i32>} : memref<4096xf32, #tpu.memory_space<vmem>>, vector<16xf32>,
          %mul3A_363 = arith.constant 4096 : i32
          %mul3A_364 = arith.muli %scan3A_347, %mul3A_363 : i32
          %mul3A_365 = arith.constant 16 : i32
          %mul3A_366 = arith.muli %scan3A_357, %mul3A_365 : i32
          %add3A_367 = arith.addi %mul3A_364, %mul3A_366 : i32
          %add3A_368 = vector.broadcast %add3A_367 : i32 to vector<16xi32>
          %add3A_369 = arith.addi %add3A_368, %iota3A : vector<16xi32>
          %eq3A_370 = arith.cmpf oeq, %get3A_362, %broadcast_in_dim3A_306 : vector<16xf32>
          %lt3A_371 = vector.broadcast %reduce_max3A_263 : i32 to vector<16xi32>
          %lt3A_372 = arith.cmpi slt, %add3A_369, %lt3A_371 : vector<16xi32>
          %and3A_373 = arith.andi %eq3A_370, %lt3A_372 : vector<16xi1>
          %jit3A_374 = arith.constant 1 : i32
          %jit3A_375 = arith.constant 0 : i32
          %broadcast_in_dim3A_376 = vector.broadcast %jit3A_374 : i32 to vector<16xi32>
          %broadcast_in_dim3A_377 = vector.broadcast %jit3A_375 : i32 to vector<16xi32>
          %select_n3A_378 = arith.select %and3A_373, %broadcast_in_dim3A_376, %broadcast_in_dim3A_377 : vector<16xi1>, vector<16xi32>
          %add3A_379 = arith.addi %scan3A_358, %select_n3A_378 : vector<16xi32>
          scf.yield %add3A_379 : vector<16xi32>
        }
        %scan3A_356 = arith.constant 256 : i32
        scf.yield %scan3A_355 : vector<16xi32>
      }
      %scan3A_342 = arith.constant 8 : i32
      %reduce_sum3A_343 = arith.constant true
      %reduce_sum3A_344 = vector.broadcast %reduce_sum3A_343 : i1 to vector<16xi1>
      %reduce_sum3A_345 = tpu.scan <sum>, %scan3A_341 masked %reduce_sum3A_344 : vector<16xi32>, vector<16xi1> -> vector<16xi32>
      %reduce_sum3A_346 = vector.extract %reduce_sum3A_345[15] : i32 from vector<16xi32>
      scf.yield %reduce_sum3A_346 : i32
    } else {
      %cond3A_336 = arith.constant 0 : i32
      scf.yield %cond3A_336 : i32
    }
    %add3A_328 = arith.addi %shift_right_arithmetic3A_316, %cond3A_327 : i32
    %lt3A_329 = arith.constant 5 : i32
    %lt3A_330 = arith.cmpi slt, %add3A_328, %lt3A_329 : i32
    %convert_element_type3A_331 = arith.extui %lt3A_330 : i1 to i32
    %convert_element_type3A_332 = arith.sitofp %convert_element_type3A_331 : i32 to f32
    %broadcast_in_dim3A_333 = vector.broadcast %convert_element_type3A_332 : f32 to vector<16xf32>
    %select_n3A_334 = arith.select %eq3A_252, %broadcast_in_dim3A_333, %select_n3A_249 : vector<16xi1>, vector<16xf32>
    %swap3A = arith.constant 0 : index
    %swap3A_335 = tpu.vector_load %arg8[%swap3A] {strides = array<i32>} : memref<16xf32, #tpu.memory_space<vmem>>, vector<16xf32>,
    tpu.vector_store %arg8[%swap3A], %select_n3A_334 {strides = array<i32>} : memref<16xf32, #tpu.memory_space<vmem>>, vector<16xf32>,
    "tpu.region"() ({
      %run_scoped3A = tpu.sem_alloc : memref<!tpu.dma_semaphore, #tpu.memory_space<semaphore_mem>>
      %dma_start3A_336 = arith.constant 0 : i32
      %dma_start3A_337 = tpu.memref_slice %arg4[%add3A, %dma_start3A_336] : memref<32x16xf32, #tpu.memory_space<hbm>> -> memref<1x16xf32, #tpu.memory_space<hbm>>
      %dma_start3A_338 = tpu.memref_squeeze %dma_start3A_337 : memref<1x16xf32, #tpu.memory_space<hbm>> -> memref<16xf32, #tpu.memory_space<hbm>>
      %dma_start3A_339 = arith.constant 0 : i32
      %dma_start3A_340 = tpu.memref_slice %arg4[%add3A, %dma_start3A_339] : memref<32x16xf32, #tpu.memory_space<hbm>> -> memref<1x16xf32, #tpu.memory_space<hbm>>
      %dma_start3A_341 = tpu.memref_squeeze %dma_start3A_340 : memref<1x16xf32, #tpu.memory_space<hbm>> -> memref<16xf32, #tpu.memory_space<hbm>>
      tpu.enqueue_dma source(%arg8 : memref<16xf32, #tpu.memory_space<vmem>>) target(%dma_start3A_341 : memref<16xf32, #tpu.memory_space<hbm>>) target_semaphore(%run_scoped3A : memref<!tpu.dma_semaphore, #tpu.memory_space<semaphore_mem>>)
      %dma_wait3A_342 = arith.constant 0 : i32
      %dma_wait3A_343 = tpu.memref_slice %arg4[%add3A, %dma_wait3A_342] : memref<32x16xf32, #tpu.memory_space<hbm>> -> memref<1x16xf32, #tpu.memory_space<hbm>>
      %dma_wait3A_344 = tpu.memref_squeeze %dma_wait3A_343 : memref<1x16xf32, #tpu.memory_space<hbm>> -> memref<16xf32, #tpu.memory_space<hbm>>
      %dma_wait3A_345 = arith.constant 0 : i32
      %dma_wait3A_346 = tpu.memref_slice %arg4[%add3A, %dma_wait3A_345] : memref<32x16xf32, #tpu.memory_space<hbm>> -> memref<1x16xf32, #tpu.memory_space<hbm>>
      %dma_wait3A_347 = tpu.memref_squeeze %dma_wait3A_346 : memref<1x16xf32, #tpu.memory_space<hbm>> -> memref<16xf32, #tpu.memory_space<hbm>>
      tpu.wait_dma2 semaphore(%run_scoped3A : memref<!tpu.dma_semaphore, #tpu.memory_space<semaphore_mem>>) src(%arg8 : memref<16xf32, #tpu.memory_space<vmem>>) dst(%dma_wait3A_347 : memref<16xf32, #tpu.memory_space<hbm>>)
      tpu.yield
    }) : () -> ()
    return
  }
}

module attributes {stable_mosaic.version = 14 : i64} {
  func.func @_mean_body(%arg0: memref<32x16xf32, #tpu.memory_space<vmem>>, %arg1: memref<1x1xf32, #tpu.memory_space<vmem>>) attributes {dimension_semantics = [], scalar_prefetch = 0 : i64, scratch_operands = 0 : i64, tpu.core_type = #tpu.core_type<tc>} {
    %get3A = arith.constant 0 : index
    %get3A_0 = arith.constant 0 : index
    %get3A_1 = vector.load %arg0[%get3A, %get3A_0] : memref<32x16xf32, #tpu.memory_space<vmem>>, vector<32x16xf32>
    %reduce_sum3A = vector.shape_cast %get3A_1 : vector<32x16xf32> to vector<1x32x16xf32>
    %reduce_sum3A_2 = arith.constant dense<0.000000e+00> : vector<1xf32>
    %reduce_sum3A_3 = vector.multi_reduction <add>, %reduce_sum3A, %reduce_sum3A_2 [1, 2] : vector<1x32x16xf32> to vector<1xf32>
    %reduce_sum3A_4 = vector.shape_cast %reduce_sum3A_3 : vector<1xf32> to vector<1x1x1xf32>
    %reduce_sum3A_5 = vector.extract %reduce_sum3A_4[0, 0, 0] : f32 from vector<1x1x1xf32>
    %mul3A = arith.constant 7.812500e-03 : f32
    %mul3A_6 = arith.mulf %reduce_sum3A_5, %mul3A : f32
    %reshape3A = vector.broadcast %mul3A_6 : f32 to vector<1x1xf32>
    %swap3A = arith.constant 0 : index
    %swap3A_7 = arith.constant 0 : index
    %swap3A_8 = vector.load %arg1[%swap3A, %swap3A_7] : memref<1x1xf32, #tpu.memory_space<vmem>>, vector<1x1xf32>
    tpu.vector_store %arg1[%swap3A, %swap3A_7], %reshape3A {strides = array<i32>} : memref<1x1xf32, #tpu.memory_space<vmem>>, vector<1x1xf32>,
    return
  }
}

</mosaic_0001>

<sc_bundles>
// kernel: kernel.4.cloned.1.call-start
scs
__scs_entry_jumppad:
0x0: {  	(pc) =	sbr.rel $0x88, $3  }
0x1: {  	(tag) =	ssettag $0x0;
	lr =	simm.s32 $0x1  }
0x2: {  	[smem:$0x3F9F] =	sst lr;
	_ =	strace $0xD0000000  }
0x3: {  	_ = 	snop  }
0x4: {  	_ = 	snop  }
0x5: {  	_ = 	snop  }
0x6: {  	_ = 	snop  }
0x7: {  	_ = 	snop  }
__scs_overlays_trampoline_lowered:
0x8: {  	[smem:$0x3FAE] =	sst s0  }
0x9: {  	[smem:$0x3FAF] =	sst s1  }
0xa: {  	[smem:$0x3FB0] =	sst s2  }
0xb: {  	[smem:$0x3FB1] =	sst s3  }
0xc: {  	[smem:$0x3FB2] =	sst s4  }
0xd: {  	[smem:$0x3FB3] =	sst s5  }
0xe: {  	[smem:$0x3FB4] =	sst s6  }
0xf: {  	[smem:$0x3FB5] =	sst s7  }
0x10: {  	[smem:$0x3FB6] =	sst s8  }
0x11: {  	[smem:$0x3FB7] =	sst s9;
	s0 =	simm.s32 @!p0 $0x0  }
0x12: {  	s1 =	sld [smem:$0x3F9D];
	s0 =	simm.s32 @p0 $0x1  }
0x13: {  	[smem:$0x3FB8] =	sst s0;
	s0 =	simm.s32 @!p1 $0x0  }
0x14: {  	s2 =	sld [smem:$0x3F9C];
	s0 =	simm.s32 @p1 $0x1  }
0x15: {  	[smem:$0x3FB9] =	sst s0;
	s0 =	simm.s32 @!p2 $0x0  }
0x16: {  	s3 =	sld [smem:$0x3FDB];
	s0 =	simm.s32 @p2 $0x1  }
0x17: {  	s4 =	simm.s32 $0x1BF5;
	[smem:$0x3FBB] =	sst s0  }
0x18: {  	s0 =	sld [smem:$0x3F9E];
	_ =	swait.ge [sflag:s4], $0x0  }
0x19: {  	s7 =	sld [smem:$0x3F9F]  }
0x1a: {  	s8 =	sadd.s32 $0xFFFFE003, lr  }
0x1b: {  	s9 =	sadd.s32 $0xFFFFFEF7, lr;
	s5 =	simm.s32 $0xFFFFFFFF;
	p2 =	slt.u32 s8, $0xFFFFF086  }
0x1c: {  	p1 =	slt.u32 s9, $0xF7A;
	s5 =	simm.s32 @!p2 $0x0  }
0x1d: {  	s5 =	simm.s32 @p1 $0x1;
	p0 =	seq.s32 s7, s2  }
0x1e: {  	s7 =	smul.u32 @!p0 $0xF7A, s2;
	p2 =	seq.s32 @!p0 s5, $0x0  }
0x1f: {  	s9 =	smul.u32 $0xF7A, s1;
	s8 =	simm.s32 @!p0 $0x1BF5;
	p2 =	por !p2, p0  }
0x20: {  	[sflag:s8] =	ssyncset.s32 @!p0 $0xFFFFF086;
	s6 =	sadd.s32 @!p0 s3, s7;
	s7 =	simm.s32 @!p0 $0x108  }
0x21: {  	s3 =	sadd.s32 s3, s9;
	s6 =	sadd.s32 @!p0 $0x88, s6;
	s7 =	simm.s32 @p2 $0x1082  }
0x22: {  	[simem:s7], [sflag:s8] =	dma.local @!p0 [hbm:s6], $0xF7A  }
0x23: {  	s9 =	sor.u32 $0xD0000000, s2;
	s6 =	simm.s32 $0x108;
	_ =	swait.ge @!p0 [sflag:s8], $0x0  }
0x24: {  	s3 =	sadd.s32 $0x88, s3;
	s6 =	simm.s32 @!p1 $0x1082;
	[sflag:s4] =	ssyncset.s32 $0xFFFFF086  }
0x25: {  	[simem:s6], [sflag:s4] =	dma.local [hbm:s3], $0xF7A  }
0x26: {  	[smem:$0x3F9F] =	sst s1;
	(tag) =	ssettag s2;
	_ =	strace s9  }
0x27: {  	s1 =	sld [smem:$0x3FAF]  }
0x28: {  	s2 =	sld [smem:$0x3FB0]  }
0x29: {  	s4 =	sld [smem:$0x3FB2]  }
0x2a: {  	p0 =	seq.s32 s5, $0x0;
	s5 =	sld [smem:$0x3FB3]  }
0x2b: {  	s6 =	sld [smem:$0x3FB4]  }
0x2c: {  	s7 =	sld [smem:$0x3FB5]  }
0x2d: {  	s3 =	simm.s32 $0x108;
	s8 =	sld [smem:$0x3FB6]  }
0x2e: {  	s3 =	simm.s32 @!p0 $0x1082;
	s9 =	sld [smem:$0x3FB7]  }
0x2f: {  	lr =	sadd.s32 s0, s3;
	s0 =	sld [smem:$0x3FAE]  }
0x30: {  	s3 =	sld [smem:$0x3FB1]  }
0x31: {  	[smem:$0x3FBA] =	sst s10  }
0x32: {  	s10 =	sld [smem:$0x3FB8];
	_ =	sdelay $0x3  }
0x33: {  	p0 =	seq.s32 s10, $0x1;
	s10 =	sld [smem:$0x3FBA];
	_ =	sdelay $0x3  }
0x34: {  	[smem:$0x3FBA] =	sst s10  }
0x35: {  	s10 =	sld [smem:$0x3FB9];
	_ =	sdelay $0x3  }
0x36: {  	p1 =	seq.s32 s10, $0x1;
	s10 =	sld [smem:$0x3FBA];
	_ =	sdelay $0x3  }
0x37: {  	[smem:$0x3FBA] =	sst s10  }
0x38: {  	s10 =	sld [smem:$0x3FBB]  }
0x39: {  	_ = 	snop;
	(pc) =	sbr.ind lr, $3  }
0x3a: {  	_ = 	snop  }
0x3b: {  	_ = 	snop  }
0x3c: {  	p2 =	seq.s32 s10, $0x1;
	s10 =	sld [smem:$0x3FBA]  }
0x3d: {  	_ =	shalt  }
0x3e: {  	_ =	shalt  }
0x3f: {  	_ =	shalt  }
0x40: {  	_ =	shalt  }
0x41: {  	_ =	shalt  }
0x42: {  	_ =	shalt  }
0x43: {  	_ =	shalt  }
0x44: {  	_ =	shalt  }
0x45: {  	_ =	shalt  }
0x46: {  	_ =	shalt  }
0x47: {  	_ =	shalt  }
0x48: {  	_ =	shalt  }
0x49: {  	_ =	shalt  }
0x4a: {  	_ =	shalt  }
0x4b: {  	_ =	shalt  }
0x4c: {  	_ =	shalt  }
0x4d: {  	_ =	shalt  }
0x4e: {  	_ =	shalt  }
0x4f: {  	_ =	shalt  }
0x50: {  	_ =	shalt  }
0x51: {  	_ =	shalt  }
0x52: {  	_ =	shalt  }
0x53: {  	_ =	shalt  }
0x54: {  	_ =	shalt  }
0x55: {  	_ =	shalt  }
0x56: {  	_ =	shalt  }
0x57: {  	_ =	shalt  }
0x58: {  	_ =	shalt  }
0x59: {  	_ =	shalt  }
0x5a: {  	_ =	shalt  }
0x5b: {  	_ =	shalt  }
0x5c: {  	_ =	shalt  }
0x5d: {  	_ =	shalt  }
0x5e: {  	_ =	shalt  }
0x5f: {  	_ =	shalt  }
0x60: {  	_ =	shalt  }
0x61: {  	_ =	shalt  }
0x62: {  	_ =	shalt  }
0x63: {  	_ =	shalt  }
0x64: {  	_ =	shalt  }
0x65: {  	_ =	shalt  }
0x66: {  	_ =	shalt  }
0x67: {  	_ =	shalt  }
0x68: {  	_ =	shalt  }
0x69: {  	_ =	shalt  }
0x6a: {  	_ =	shalt  }
0x6b: {  	_ =	shalt  }
0x6c: {  	_ =	shalt  }
0x6d: {  	_ =	shalt  }
0x6e: {  	_ =	shalt  }
0x6f: {  	_ =	shalt  }
0x70: {  	_ =	shalt  }
0x71: {  	_ =	shalt  }
0x72: {  	_ =	shalt  }
0x73: {  	_ =	shalt  }
0x74: {  	_ =	shalt  }
0x75: {  	_ =	shalt  }
0x76: {  	_ =	shalt  }
0x77: {  	_ =	shalt  }
0x78: {  	_ =	shalt  }
0x79: {  	_ =	shalt  }
0x7a: {  	_ =	shalt  }
0x7b: {  	_ =	shalt  }
0x7c: {  	_ =	shalt  }
0x7d: {  	_ =	shalt  }
0x7e: {  	_ =	shalt  }
0x7f: {  	_ =	shalt  }
0x80: {  	_ =	shalt  }
0x81: {  	_ =	shalt  }
0x82: {  	_ =	shalt  }
0x83: {  	_ =	shalt  }
0x84: {  	_ =	shalt  }
0x85: {  	_ =	shalt  }
0x86: {  	_ =	shalt  }
0x87: {  	_ =	shalt  }
.Lfunc_end0:
.L_simem_size_0:
called_computation_lowered:
.L_overlay_start_0:
0x88: {  	s2 =	sld [smem:$0x3FD9]  }
0x89: {  	s3 =	sld [smem:$0x3FFE];
	_ =	sdelay $0x1  }
0x8a: {  	s1 =	srdreg.scid  }
0x8b: {  	s0 =	sand.u32 $0x1, s1  }
0x8c: {  	s17 =	sshll.u32 s0, $0xA;
	s2 =	sadd.s32 s3, s2  }
0x8d: {  	s2 =	sadd.s32 s2, s17  }
0x8e: {  	[smem:$0x3FC6] =	sst s2  }
0x8f: {  	_ = 	snop  }
0x90: {  	s2 =	sld [smem:$0x3FC9]  }
0x91: {  	s18 =	sld [smem:$0x3FC8];
	(tm) =	ssettm $0x1  }
0x92: {  	s4 =	sld [smem:$0x3FFB];
	_ =	sdelay $0x3  }
0x93: {  	_ =	strace s4  }
0x94: {  	s4 =	sld [smem:$0x3FFC];
	_ =	sdelay $0x3  }
0x95: {  	_ =	strace s4  }
0x96: {  	s4 =	sld [smem:$0x3FFD];
	_ =	sdelay $0x3  }
0x97: {  	_ =	strace s4  }
0x98: {  	_ =	strace $0x8FFFFFFF  }
0x99: {  	s19 =	sld [smem:$0x3FDB];
	_ =	sdelay $0x1  }
0x9a: {  	s5 =	simm.s32 $_scs_section_size  }
0x9b: {  	s6 =	simm.s32 $_size__tile_overlayer_lowered;
	s7 =	simm.s32 $_tile_overlayer_lowered  }
0x9c: {  	s22 =	simm.s32 $0x1BFF;
	s21 =	sshll.u32 s7, $0x1;
	s4 =	sadd.s32 s5, s19  }
0x9d: {  	s8 =	simm.s32 $0x0;
	s20 =	sshll.u32 s6, $0x1;
	s6 =	sadd.s32 s21, s4  }
0x9e: {  	[timem:s8], [sflag:s22] =	dma.local [hbm:s6], s20  }
0x9f: {  	_ =	swait.ge [sflag:s22], s20  }
0xa0: {  	s5 =	ssub.s32 $0x0, s20;
	[sflag:s22] =	ssyncset.done $0x0  }
0xa1: {  	[sflag:s22] =	ssyncadd.s32 s5;
	_ =	sdelay $0x1  }
0xa2: {  	s23 =	simm.s32 $0x1B8B  }
0xa3: {  	_ =	swait.ge [sflag:s23], $0x1  }
0xa4: {  	[sflag:s23] =	ssyncset.done $0x0  }
0xa5: {  	s25 =	simm.s32 $0x1B8E;
	s24 =	sld [smem:$0x3FFE];
	[sflag:s23] =	ssyncadd.s32 $0xFFFFFFFF  }
0xa6: {  	s26 =	simm.s32 $execute0_lowered;
	[smem:$0x3FD2] =	sst s25  }
0xa7: {  	s6 =	sshll.u32 s26, $0x1;
	_ =	strace $0x80000046;
	[dreg:$0x1] =	wrdreg $0xFFFFFFFF  }
0xa8: {  	s28 =	simm.s32 $_size_execute0_lowered;
	s4 =	sadd.s32 s4, s6;
	[dreg:$0x0] =	wrdreg $0x0  }
0xa9: {  	s6 =	sshll.u32 s28, $0x1;
	[dreg:$0x2] =	wrdreg s4  }
0xaa: {  	[dreg:$0x3] =	wrdreg s6  }
0xab: {  	[dreg:$0x4] =	wrdreg $0xC0  }
0xac: {  	_ =	task [dreg:s8], $0x5FFFF  }
0xad: {  	[dreg:$0x1] =	wrdreg $0xFFFFFFFF  }
0xae: {  	[dreg:$0x0] =	wrdreg $0x60  }
0xaf: {  	[dreg:$0x2] =	wrdreg s2  }
0xb0: {  	[dreg:$0x3] =	wrdreg s18  }
0xb1: {  	[dreg:$0x4] =	wrdreg s24  }
0xb2: {  	[dreg:$0x5] =	wrdreg $0x9  }
0xb3: {  	_ =	task.clear_ibuf [dreg:s8], $0x6FFFF;
	_ =	strace $0x90000046  }
0xb4: {  	s29 =	simm.s32 $0x9;
	_ =	strace $0x80000048  }
0xb5: {  	_ =	swait.ge [sflag:s29], $0x1  }
0xb6: {  	[sflag:s29] =	ssyncadd.s32 $0xFFFFFFFF  }
0xb7: {  	_ =	strace $0x90000048  }
0xb8: {  	_ =	sfence  }
0xb9: {  	s30 =	sld [smem:$0x0];
	_ =	sdelay $0x2  }
0xba: {  	s31 =	sshll.u32 s1, $0xD;
	s1 =	sshrl.u32 s1, $0x2  }
0xbb: {  	s3 =	sand.u32 $0x4000, s31;
	s1 =	sadd.s32 s1, s30  }
0xbc: {  	s0 =	sor.u32 s3, s0;
	s1 =	sshll.u32 s1, $0x11  }
0xbd: {  	s0 =	sor.u32 s1, s0  }
0xbe: {  	s0 =	sadd.s32 $0x8F2B, s0  }
0xbf: {  	[sflag:s0] =	ssyncadd.remote.s32 $0x1  }
0xc0: {  	_ =	sfence.sel $0xFFFF  }
0xc1: {  	[dreg:$0x0] =	wrdreg $0xFFFFFFFF;
	(pc) =	sbr.abs _section_cstart, $3  }
0xc2: {  	[dreg:$0x1] =	wrdreg $0xFFFFFFFF  }
0xc3: {  	_ =	task.clear_ibuf [dreg:s8], $0x2FFFF;
	_ =	strace $0x9FFFFFFF  }
0xc4: {  	(tm) =	ssettm $0x7FFFFFFF  }
0xc5: {  	_ =	shalt  }
tec
execute0_lowered:
.L_overlay_start_1:
0x0: {  	(tag) =	ssettag $0x1  }
0x1: {  	s1 =	rddreg [dreg:$0x0];
	s3 =	simm.s32 $0x0  }
0x2: {  	[smem:$0x7FF] =	sst s3  }
0x3: {  	s0 =	rddreg [dreg:$0x2];
	v0 =	vimm.s32 $0x0;
	_ =	strace $0x80000047  }
0x4: {  	(xrf0) =	vadd.scan.msk.s32 $0xffff, v0;
	_ =	sdelay $0x5  }
0x5: {  	v1, _, _ =	vpop (xrf0)  }
0x6: {  	(v2sf) =	vpush v1, $0xF;
	_ =	sdelay $0x6  }
0x7: {  	s2 =	srdreg.scid;
	s9 =	stileid.u32;
	s17 =	simm.s32 $0x1  }
0x8: {  	s18 =	simm.s32 $0x80;
	s2 =	sand.u32 $0x1, s2;
	s4 =	sshll.u32 s9, $0x1  }
0x9: {  	s19 =	simm.s32 $0x2;
	s20 =	simm.s32 $0x400;
	s4 =	sor.u32 s2, s4  }
0xa: {  	s21 =	simm.s32 $0x100;
	s5 =	ssub.s32 $0x2, s2;
	s6 =	sshll.u32 s4, $0x4  }
0xb: {  	s23 =	simm.s32 $0x0;
	s7 =	sshrl.u32 s5, $0x1;
	s0 =	sadd.s32 s6, s0  }
0xc: {  	s8 =	ssub.s32 s5, s7;
	s5 =	sshll.u32 s9, $0x12;
	s6 =	sshll.u32 s2, $0x9  }
.Ltmp0:
0xd: {  	s13 =	sshll.u32 s4, $0x2;
	s7 =	sor.u32 s6, s5;
	(pc) =	sbr.rel .LBB2_1-.Ltmp0, $4  }
0xe: {  	s9 =	sor.u32 $0x80, s6;
	s11 =	sor.u32 $0x100, s6;
	s12 =	sor.u32 $0x180, s6  }
0xf: {  	s0 =	sadd.s32 $0x600, s0;
	s16 =	smax.u32 s8, $0x1;
	v1 =	vlaneseq.u32;
	s31 =	spop (v2sf)  }
0x10: {  	s10 =	sor.u32 s9, s5;
	s14 =	sor.u32 s12, s5;
	v2 =	vadd.s32 s13, v1;
	s4 =	sshra.s32 s31, $0x10  }
0x11: {  	vm0 =	vmmov $0xffff;
	vm1 =	vmmov $0x1;
	[dreg:$0x4] =	wrdreg s0;
	s13 =	sor.u32 s11, s5;
	v2 =	vmin.u32 v2, $0x7F;
	p0 =	sgt.s32 s4, $0x4  }
.LBB2_39:
0x12: {  	s8 =	smov.u32 s4  }
.LBB2_51:
0x13: {  	s2 =	sadd.s32 s24, s25  }
0x14: {  	p1 =	slt.s32 s2, $0x5;
	s2 =	simm.f32 $1.000000000e+00  }
0x15: {  	s15 =	sadd.s32 s28, s29;
	s29 =	sadd.s32 s30, s26;
	s2 =	simm.s32 @!p1 $0x0  }
0x16: {  	vm2 =	vcmask $0x300;
	s0 =	sadd.s32 s8, s0;
	p1 =	slt.s32 s15, $0x5;
	s15 =	simm.f32 $1.000000000e+00;
	v3 =	vmov s2  }
0x17: {  	s15 =	simm.s32 @!p1 $0x0;
	p1 =	slt.s32 s29, $0x5;
	s2 =	simm.f32 $1.000000000e+00;
	v3 =	vnsel vm2, $0x0, v3;
	vm2 =	veq.s32 v1, $0x1  }
0x18: {  	s2 =	simm.s32 @!p1 $0x0;
	p1 =	slt.s32 s0, $0x5;
	s0 =	simm.f32 $1.000000000e+00;
	v3 =	vsel vm2, s15, v3;
	vm2 =	veq.s32 v1, $0x2  }
0x19: {  	s23 =	sadd.s32 $0x1, s23;
	s0 =	simm.s32 @!p1 $0x0;
	v3 =	vsel vm2, s2, v3;
	vm2 =	veq.s32 v1, $0x3  }
0x1a: {  	p1 =	sne.s32 s23, s16;
	v3 =	vsel vm2, s0, v3  }
.Ltmp1:
0x1b: {  	s30 =	rddreg [dreg:$0x4];
	s31 =	simm.s32 $0x1100;
	[tilespmem:$0x1100] =	vst v3;
	(pc) =	sbr.rel @!p1 .LBB2_52-.Ltmp1, $4  }
0x1c: {  	[hbm4b:s30+s3] =	stream.linear.scatter [tilespmem:s31], [sflag:$0x2], $0x80, $0x38;
	[tilespmem:$0x1180] =	vst v63  }
0x1d: {  	_ =	swait.ge [sflag:s19], $0x80  }
0x1e: {  	[sflag:s19] =	ssyncset.done $0x0  }
0x1f: {  	[sflag:s19] =	ssyncadd.s32 $0xFFFFFF80  }
.LBB2_1:
0x20: {  	_ =	sdelay $0x2  }
0x21: {  	s0 =	rddreg [dreg:$0x1]  }
0x22: {  	[tilespmem:s3], [sflag:$0x1] =	stream.indirect_vreg.gather [hbm4b:s0+s3], $0x1, v2, vm0, $0xb8;
	[tilespmem:$0x1180] =	vst v63  }
0x23: {  	_ =	swait.ge [sflag:s17], $0x10  }
0x24: {  	[sflag:s17] =	ssyncset.done $0x0  }
0x25: {  	[sflag:s17] =	ssyncadd.s32 $0xFFFFFFF0  }
0x26: {  	v3 =	vld [tilespmem:$0x0];
	_ =	sdelay $0x4  }
0x27: {  	v4 =	vnsel vm1, $0xFFFFFFFF, v3  }
0x28: {  	v4 =	vxor.u32 $0x80000000, v4  }
0x29: {  	(xrf0) =	vmax.scan.msk.u32 $0xffff, v4;
	_ =	sdelay $0x5  }
0x2a: {  	v4, _, _ =	vpop (xrf0)  }
0x2b: {  	(v2sf) =	vpush v4, $0xF;
	_ =	sdelay $0xe  }
0x2c: {  	s30 =	spop (v2sf)  }
0x2d: {  	s26 =	sxor.u32 $0x80000000, s30  }
0x2e: {  	p1 =	sgt.s32 s30, $0xFFFFFFFF;
	s0 =	sand.u32 $0xF, s30;
	p2 =	slt.s32 s26, $0x1  }
0x2f: {  	s2 =	sshra.s32 s26, $0x1F;
	p6 =	sne.s32 s0, $0x0;
	p1 =	por p1, p2  }
0x30: {  	s31 =	sshrl.u32 s2, $0x1C;
	p1 =	por !p6, !p1  }
0x31: {  	s2 =	simm.s32 $0x1;
	s0 =	sadd.s32 s31, s26;
	p1 =	por !p1, !p1  }
0x32: {  	s0 =	sshra.s32 s0, $0x4;
	s2 =	simm.s32 @!p1 $0x0  }
0x33: {  	s0 =	ssub.s32 s0, s2  }
0x34: {  	s2 =	sshll.u32 s0, $0x7  }
0x35: {  	s0 =	sshll.u32 s0, $0x4;
	s2 =	sand.u32 $0xFFFFFC00, s2  }
0x36: {  	s8 =	sand.u32 $0x70, s0;
	s2 =	sadd.s32 s5, s2  }
0x37: {  	s2 =	sor.u32 s8, s2  }
0x38: {  	s2 =	sor.u32 s6, s2  }
0x39: {  	s2 =	sshrl.u32 s2, $0x3  }
0x3a: {  	s2 =	sadd.s32 s1, s2  }
0x3b: {  	[tilespmem:s18], [sflag:$0x2] =	stream.linear.gather [hbm4b:s2+s3], $0x10, $0x38;
	[tilespmem:$0x1180] =	vst v63  }
0x3c: {  	_ =	swait.ge [sflag:s19], $0x10  }
0x3d: {  	[sflag:s19] =	ssyncset.done $0x0  }
0x3e: {  	[sflag:s19] =	ssyncadd.s32 $0xFFFFFFF0  }
0x3f: {  	v4 =	vld [tilespmem:$0x80];
	_ =	sdelay $0x1  }
0x40: {  	s0 =	ssub.s32 s26, s0  }
0x41: {  	v5 =	vmov s0  }
0x42: {  	vm2 =	veq.s32 v5, v1  }
0x43: {  	v4 =	vnsel vm2, $0xFF800000, v4  }
0x44: {  	(xrf0) =	vmax.scan.msk.f32 $0xffff, v4;
	_ =	sdelay $0x1  }
.Ltmp2:
0x45: {  	_ = 	snop;
	(pc) =	sbr.rel @p0 .LBB2_13-.Ltmp2, $2  }
0x46: {  	_ =	sdelay $0x2  }
0x47: {  	s24 =	smov.u32 s4;
	s25 =	simm.s32 $0x0;
	v4, _, _ =	vpop (xrf0)  }
0x48: {  	v4 =	vbroadcast v4, $0xF  }
0x49: {  	v5 =	vimm.s32 $0x0;
	s0 =	simm.s32 $0x0  }
.LBB2_3:
0x4a: {  	s2 =	sshll.u32 s0, $0xF  }
0x4b: {  	s2 =	sadd.s32 s7, s2  }
0x4c: {  	s2 =	sshrl.u32 s2, $0x3  }
0x4d: {  	s2 =	sadd.s32 s1, s2  }
0x4e: {  	[tilespmem:s21], [sflag:$0x2] =	stream.strided.gather [hbm4b:s2+s18], $0x1000, s20, s18, $0x38;
	[tilespmem:$0x1180] =	vst v63  }
0x4f: {  	_ =	swait.ge [sflag:s19], $0x1000  }
0x50: {  	[sflag:s19] =	ssyncset.done $0x0  }
0x51: {  	s31 =	simm.s32 $0x140;
	[sflag:s19] =	ssyncadd.s32 $0xFFFFF000  }
0x52: {  	v7 =	vld [tilespmem:s31+$0x30]  }
0x53: {  	v8 =	vld [tilespmem:s31+$0x20]  }
0x54: {  	v9 =	vld [tilespmem:s31+$0x10]  }
0x55: {  	v10 =	vld [tilespmem:s31+$0x0]  }
0x56: {  	v11 =	vld [tilespmem:s31+$0xFFFFFFF0]  }
0x57: {  	v6 =	vld [tilespmem:s31+$0xFFFFFFE0]  }
0x58: {  	v12 =	vld [tilespmem:s31+$0xFFFFFFD0]  }
0x59: {  	v13 =	vld [tilespmem:s31+$0xFFFFFFC0]  }
0x5a: {  	vm6 =	vgt.f32 v7, v4  }
0x5b: {  	vm9 =	vgt.f32 v9, v4;
	vm7 =	vgt.f32 v8, v4;
	vm8 =	veq.f32 v7, v4  }
0x5c: {  	vm11 =	vgt.f32 v10, v4;
	vm12 =	veq.f32 v9, v4;
	vm10 =	veq.f32 v8, v4  }
0x5d: {  	vm15 =	vgt.f32 v6, v4;
	vm13 =	vgt.f32 v11, v4;
	vm14 =	veq.f32 v10, v4  }
0x5e: {  	vm5 =	veq.f32 v13, v4;
	vm3 =	vgt.f32 v12, v4;
	vm2 =	veq.f32 v11, v4  }
0x5f: {  	s8 =	simm.s32 $0x0;
	s24 =	simm.s32 $0x1C0;
	vm4 =	vgt.f32 v13, v4;
	v7 =	vsel vm5, $0x1, v0;
	vm5 =	veq.f32 v12, v4  }
.LBB2_4:
0x60: {  	v8 =	vld [tilespmem:s24+$0x30];
	v7 =	vsel vm4, $0x10000, v7;
	v9 =	vsel vm5, $0x1, v0;
	vm4 =	veq.f32 v6, v4  }
0x61: {  	v10 =	vld [tilespmem:s24+$0x20];
	v5 =	vadd.s32 v5, v7;
	v6 =	vsel vm3, $0x10000, v9;
	v7 =	vsel vm4, $0x1, v0  }
0x62: {  	v9 =	vld [tilespmem:s24+$0x10];
	v5 =	vadd.s32 v6, v5;
	v6 =	vsel vm15, $0x10000, v7;
	v7 =	vsel vm2, $0x1, v0  }
0x63: {  	v11 =	vld [tilespmem:s24+$0x0];
	v5 =	vadd.s32 v6, v5;
	v6 =	vsel vm13, $0x10000, v7;
	v7 =	vsel vm14, $0x1, v0  }
0x64: {  	v13 =	vsel vm12, $0x1, v0;
	v12 =	vld [tilespmem:s24+$0xFFFFFFF0];
	v5 =	vadd.s32 v6, v5;
	v7 =	vsel vm11, $0x10000, v7  }
0x65: {  	v6 =	vld [tilespmem:s24+$0xFFFFFFE0];
	v5 =	vadd.s32 v7, v5;
	v7 =	vsel vm9, $0x10000, v13;
	v13 =	vsel vm10, $0x1, v0  }
0x66: {  	v14 =	vld [tilespmem:s24+$0xFFFFFFD0];
	v5 =	vadd.s32 v7, v5;
	v7 =	vsel vm7, $0x10000, v13;
	v13 =	vsel vm8, $0x1, v0  }
0x67: {  	s8 =	sadd.s32 $0x8, s8;
	v15 =	vld [tilespmem:s24+$0xFFFFFFC0];
	v5 =	vadd.s32 v7, v5;
	v7 =	vsel vm6, $0x10000, v13  }
0x68: {  	p1 =	slt.u32 s8, $0xF8;
	vm6 =	vgt.f32 v8, v4;
	v5 =	vadd.s32 v7, v5  }
.Ltmp3:
0x69: {  	vm7 =	vgt.f32 v10, v4;
	vm8 =	veq.f32 v8, v4;
	vm9 =	vgt.f32 v9, v4;
	(pc) =	sbr.rel @p1 .LBB2_4-.Ltmp3, $4  }
0x6a: {  	vm10 =	veq.f32 v10, v4;
	vm12 =	veq.f32 v9, v4;
	vm11 =	vgt.f32 v11, v4  }
0x6b: {  	vm14 =	veq.f32 v11, v4;
	vm13 =	vgt.f32 v12, v4;
	vm15 =	vgt.f32 v6, v4  }
0x6c: {  	vm2 =	veq.f32 v12, v4;
	vm3 =	vgt.f32 v14, v4;
	vm5 =	veq.f32 v15, v4  }
0x6d: {  	s24 =	sadd.s32 $0x80, s24;
	vm4 =	vgt.f32 v15, v4;
	v7 =	vsel vm5, $0x1, v0;
	vm5 =	veq.f32 v14, v4  }
0x6e: {  	v7 =	vsel vm4, $0x10000, v7;
	v8 =	vsel vm5, $0x1, v0;
	vm4 =	veq.f32 v6, v4  }
0x6f: {  	v5 =	vadd.s32 v5, v7;
	v6 =	vsel vm3, $0x10000, v8;
	v7 =	vsel vm4, $0x1, v0  }
0x70: {  	v5 =	vadd.s32 v6, v5;
	v6 =	vsel vm15, $0x10000, v7;
	v7 =	vsel vm2, $0x1, v0  }
0x71: {  	v5 =	vadd.s32 v6, v5;
	v6 =	vsel vm13, $0x10000, v7;
	v7 =	vsel vm14, $0x1, v0  }
0x72: {  	v5 =	vadd.s32 v6, v5;
	v6 =	vsel vm11, $0x10000, v7;
	v7 =	vsel vm12, $0x1, v0  }
0x73: {  	v5 =	vadd.s32 v6, v5;
	v6 =	vsel vm9, $0x10000, v7;
	v7 =	vsel vm10, $0x1, v0  }
0x74: {  	v5 =	vadd.s32 v6, v5;
	v6 =	vsel vm7, $0x10000, v7;
	v7 =	vsel vm8, $0x1, v0  }
0x75: {  	v5 =	vadd.s32 v6, v5;
	v6 =	vsel vm6, $0x10000, v7  }
0x76: {  	v5 =	vadd.s32 v6, v5  }
0x77: {  	(xrf0) =	vadd.scan.msk.s32 $0xffff, v5;
	_ =	sdelay $0x5  }
0x78: {  	v6, _, _ =	vpop (xrf0)  }
0x79: {  	(v2sf) =	vpush v6, $0xF;
	_ =	sdelay $0xe  }
0x7a: {  	s2 =	spop (v2sf)  }
0x7b: {  	p1 =	sgt.u32 s0, $0x6;
	s24 =	sshra.s32 s2, $0x10  }
0x7c: {  	p2 =	slt.s32 @!p1 s24, $0x5  }
0x7d: {  	p1 =	por p1, !p2  }
.Ltmp4:
0x7e: {  	_ = 	snop;
	(pc) =	sbr.rel @!p1 .LBB2_3-.Ltmp4, $2  }
0x7f: {  	_ =	sdelay $0x2  }
0x80: {  	s0 =	sadd.s32 $0x1, s0  }
0x81: {  	s0 =	sand.u32 $0xFFFF, s2  }
0x82: {  	p1 =	seq.s32 s0, $0x1  }
0x83: {  	p2 =	sgt.s32 @!p1 s24, $0x4  }
0x84: {  	p2 =	por p1, p2  }
.Ltmp5:
0x85: {  	_ = 	snop;
	(pc) =	sbr.rel @p2 .LBB2_7-.Ltmp5, $1  }
0x86: {  	_ =	sdelay $0x3  }
0x87: {  	v6 =	vmov s26;
	v5 =	vimm.s32 $0x0;
	s0 =	simm.s32 $0x0;
	s2 =	simm.s32 $0x0  }
.LBB2_9:
0x88: {  	s8 =	sshll.u32 s2, $0xF  }
0x89: {  	s8 =	sadd.s32 s7, s8  }
0x8a: {  	s8 =	sshrl.u32 s8, $0x3  }
0x8b: {  	s8 =	sadd.s32 s1, s8  }
0x8c: {  	[tilespmem:s21], [sflag:$0x2] =	stream.strided.gather [hbm4b:s8+s18], $0x1000, s20, s18, $0x38;
	[tilespmem:$0x1180] =	vst v63  }
0x8d: {  	_ =	swait.ge [sflag:s19], $0x1000  }
0x8e: {  	[sflag:s19] =	ssyncset.done $0x0  }
0x8f: {  	s22 =	simm.s32 $0x0;
	[sflag:s19] =	ssyncadd.s32 $0xFFFFF000  }
0x90: {  	v7 =	vld [tilespmem:s22+$0x100];
	_ =	sdelay $0x3  }
0x91: {  	v8 =	vor.u32 s0, v1;
	s25 =	smov.u32 s0;
	s8 =	simm.s32 $0x40  }
.LBB2_10:
0x92: {  	s22 =	sshra.s32 s8, $0x2;
	p1 =	sne.s32 s8, $0x3FC0;
	s8 =	sadd.s32 $0x40, s8;
	vm2 =	veq.f32 v7, v4;
	vm3 =	vlt.s32 v8, v6  }
.Ltmp6:
0x93: {  	v7 =	vld [tilespmem:s22+$0x100];
	vm2 =	vmand vm3, vm2;
	(pc) =	sbr.rel @p1 .LBB2_10-.Ltmp6, $4  }
0x94: {  	v8 =	vsel vm2, $0x1, v0  }
0x95: {  	v5 =	vadd.s32 v8, v5  }
0x96: {  	s25 =	sadd.s32 $0x10, s25  }
0x97: {  	v8 =	vor.u32 s25, v1  }
0x98: {  	s2 =	sadd.s32 $0x1, s2  }
0x99: {  	p1 =	sne.s32 s2, $0x8  }
.Ltmp7:
0x9a: {  	_ = 	snop;
	(pc) =	sbr.rel @p1 .LBB2_9-.Ltmp7, $4  }
0x9b: {  	vm2 =	veq.f32 v7, v4;
	vm3 =	vlt.s32 v8, v6  }
0x9c: {  	vm2 =	vmand vm3, vm2  }
0x9d: {  	v7 =	vsel vm2, $0x1, v0  }
0x9e: {  	s0 =	sadd.s32 $0x1000, s0;
	v5 =	vadd.s32 v7, v5  }
0x9f: {  	(xrf0) =	vadd.scan.msk.s32 $0xffff, v5;
	_ =	sdelay $0x5  }
0xa0: {  	v4, _, _ =	vpop (xrf0)  }
0xa1: {  	(v2sf) =	vpush v4, $0xF;
	_ =	sdelay $0xa  }
.Ltmp8:
0xa2: {  	_ = 	snop;
	(pc) =	sbr.rel .LBB2_13-.Ltmp8, $2  }
0xa3: {  	_ =	sdelay $0x2  }
0xa4: {  	s25 =	spop (v2sf)  }
.LBB2_7:
0xa5: {  	s25 =	simm.s32 $0x0  }
0xa6: {  	s24 =	smov.u32 @p1 s24;
	s25 =	simm.s32 @p1 $0x0  }
.LBB2_13:
0xa7: {  	vm2 =	vcmask $0x308  }
0xa8: {  	v4 =	vsel vm2, $0xFFFFFFFF, v3  }
0xa9: {  	v4 =	vxor.u32 $0x80000000, v4  }
0xaa: {  	(xrf0) =	vmax.scan.msk.u32 $0xffff, v4;
	_ =	sdelay $0x5  }
0xab: {  	v4, _, _ =	vpop (xrf0)  }
0xac: {  	(v2sf) =	vpush v4, $0xF;
	_ =	sdelay $0xe  }
0xad: {  	s0 =	spop (v2sf)  }
0xae: {  	s30 =	sxor.u32 $0x80000000, s0  }
0xaf: {  	p1 =	sgt.s32 s0, $0xFFFFFFFF;
	s0 =	sand.u32 $0xF, s0;
	p2 =	slt.s32 s30, $0x1  }
0xb0: {  	s2 =	sshra.s32 s30, $0x1F;
	p6 =	sne.s32 s0, $0x0;
	p1 =	por p1, p2  }
0xb1: {  	s31 =	sshrl.u32 s2, $0x1C;
	p1 =	por !p6, !p1  }
0xb2: {  	s2 =	simm.s32 $0x1;
	s0 =	sadd.s32 s31, s30;
	p1 =	por !p1, !p1  }
0xb3: {  	s0 =	sshra.s32 s0, $0x4;
	s2 =	simm.s32 @!p1 $0x0  }
0xb4: {  	s0 =	ssub.s32 s0, s2  }
0xb5: {  	s2 =	sshll.u32 s0, $0x7  }
0xb6: {  	s0 =	sshll.u32 s0, $0x4;
	s2 =	sand.u32 $0xFFFFFC00, s2  }
0xb7: {  	s8 =	sand.u32 $0x70, s0;
	s2 =	sadd.s32 s5, s2  }
0xb8: {  	s2 =	sor.u32 s8, s2  }
0xb9: {  	s2 =	sor.u32 s9, s2  }
0xba: {  	s2 =	sshrl.u32 s2, $0x3  }
0xbb: {  	s26 =	simm.s32 $0x0;
	s2 =	sadd.s32 s1, s2  }
0xbc: {  	[tilespmem:s18], [sflag:$0x2] =	stream.linear.gather [hbm4b:s2+s26], $0x10, $0x38;
	[tilespmem:$0x1180] =	vst v63  }
0xbd: {  	_ =	swait.ge [sflag:s19], $0x10  }
0xbe: {  	[sflag:s19] =	ssyncset.done $0x0  }
0xbf: {  	[sflag:s19] =	ssyncadd.s32 $0xFFFFFFF0  }
0xc0: {  	v4 =	vld [tilespmem:$0x80];
	_ =	sdelay $0x1  }
0xc1: {  	s0 =	ssub.s32 s30, s0  }
0xc2: {  	v5 =	vmov s0  }
0xc3: {  	vm2 =	veq.s32 v5, v1  }
0xc4: {  	v4 =	vnsel vm2, $0xFF800000, v4  }
0xc5: {  	(xrf0) =	vmax.scan.msk.f32 $0xffff, v4;
	_ =	sdelay $0x1  }
.Ltmp9:
0xc6: {  	_ = 	snop;
	(pc) =	sbr.rel @p0 .LBB2_25-.Ltmp9, $2  }
0xc7: {  	_ =	sdelay $0x2  }
0xc8: {  	s28 =	smov.u32 s4;
	s29 =	simm.s32 $0x0;
	v4, _, _ =	vpop (xrf0)  }
0xc9: {  	v4 =	vbroadcast v4, $0xF  }
0xca: {  	v5 =	vimm.s32 $0x0;
	s0 =	simm.s32 $0x0  }
.LBB2_15:
0xcb: {  	s2 =	sshll.u32 s0, $0xF  }
0xcc: {  	s2 =	sadd.s32 s10, s2  }
0xcd: {  	s2 =	sshrl.u32 s2, $0x3  }
0xce: {  	s2 =	sadd.s32 s1, s2  }
0xcf: {  	[tilespmem:s21], [sflag:$0x2] =	stream.strided.gather [hbm4b:s2+s18], $0x1000, s20, s18, $0x38;
	[tilespmem:$0x1180] =	vst v63  }
0xd0: {  	_ =	swait.ge [sflag:s19], $0x1000  }
0xd1: {  	[sflag:s19] =	ssyncset.done $0x0  }
0xd2: {  	s31 =	simm.s32 $0x140;
	[sflag:s19] =	ssyncadd.s32 $0xFFFFF000  }
0xd3: {  	v7 =	vld [tilespmem:s31+$0x30]  }
0xd4: {  	v8 =	vld [tilespmem:s31+$0x20]  }
0xd5: {  	v9 =	vld [tilespmem:s31+$0x10]  }
0xd6: {  	v10 =	vld [tilespmem:s31+$0x0]  }
0xd7: {  	v11 =	vld [tilespmem:s31+$0xFFFFFFF0]  }
0xd8: {  	v6 =	vld [tilespmem:s31+$0xFFFFFFE0]  }
0xd9: {  	v12 =	vld [tilespmem:s31+$0xFFFFFFD0]  }
0xda: {  	v13 =	vld [tilespmem:s31+$0xFFFFFFC0]  }
0xdb: {  	vm6 =	vgt.f32 v7, v4  }
0xdc: {  	vm9 =	vgt.f32 v9, v4;
	vm7 =	vgt.f32 v8, v4;
	vm8 =	veq.f32 v7, v4  }
0xdd: {  	vm11 =	vgt.f32 v10, v4;
	vm12 =	veq.f32 v9, v4;
	vm10 =	veq.f32 v8, v4  }
0xde: {  	vm15 =	vgt.f32 v6, v4;
	vm13 =	vgt.f32 v11, v4;
	vm14 =	veq.f32 v10, v4  }
0xdf: {  	vm5 =	veq.f32 v13, v4;
	vm3 =	vgt.f32 v12, v4;
	vm2 =	veq.f32 v11, v4  }
0xe0: {  	s8 =	simm.s32 $0x0;
	s28 =	simm.s32 $0x1C0;
	vm4 =	vgt.f32 v13, v4;
	v7 =	vsel vm5, $0x1, v0;
	vm5 =	veq.f32 v12, v4  }
.LBB2_16:
0xe1: {  	v8 =	vld [tilespmem:s28+$0x30];
	v7 =	vsel vm4, $0x10000, v7;
	v9 =	vsel vm5, $0x1, v0;
	vm4 =	veq.f32 v6, v4  }
0xe2: {  	v10 =	vld [tilespmem:s28+$0x20];
	v5 =	vadd.s32 v5, v7;
	v6 =	vsel vm3, $0x10000, v9;
	v7 =	vsel vm4, $0x1, v0  }
0xe3: {  	v9 =	vld [tilespmem:s28+$0x10];
	v5 =	vadd.s32 v6, v5;
	v6 =	vsel vm15, $0x10000, v7;
	v7 =	vsel vm2, $0x1, v0  }
0xe4: {  	v11 =	vld [tilespmem:s28+$0x0];
	v5 =	vadd.s32 v6, v5;
	v6 =	vsel vm13, $0x10000, v7;
	v7 =	vsel vm14, $0x1, v0  }
0xe5: {  	v13 =	vsel vm12, $0x1, v0;
	v12 =	vld [tilespmem:s28+$0xFFFFFFF0];
	v5 =	vadd.s32 v6, v5;
	v7 =	vsel vm11, $0x10000, v7  }
0xe6: {  	v6 =	vld [tilespmem:s28+$0xFFFFFFE0];
	v5 =	vadd.s32 v7, v5;
	v7 =	vsel vm9, $0x10000, v13;
	v13 =	vsel vm10, $0x1, v0  }
0xe7: {  	v14 =	vld [tilespmem:s28+$0xFFFFFFD0];
	v5 =	vadd.s32 v7, v5;
	v7 =	vsel vm7, $0x10000, v13;
	v13 =	vsel vm8, $0x1, v0  }
0xe8: {  	s8 =	sadd.s32 $0x8, s8;
	v15 =	vld [tilespmem:s28+$0xFFFFFFC0];
	v5 =	vadd.s32 v7, v5;
	v7 =	vsel vm6, $0x10000, v13  }
0xe9: {  	p1 =	slt.u32 s8, $0xF8;
	vm6 =	vgt.f32 v8, v4;
	v5 =	vadd.s32 v7, v5  }
.Ltmp10:
0xea: {  	vm7 =	vgt.f32 v10, v4;
	vm8 =	veq.f32 v8, v4;
	vm9 =	vgt.f32 v9, v4;
	(pc) =	sbr.rel @p1 .LBB2_16-.Ltmp10, $4  }
0xeb: {  	vm10 =	veq.f32 v10, v4;
	vm12 =	veq.f32 v9, v4;
	vm11 =	vgt.f32 v11, v4  }
0xec: {  	vm14 =	veq.f32 v11, v4;
	vm13 =	vgt.f32 v12, v4;
	vm15 =	vgt.f32 v6, v4  }
0xed: {  	vm2 =	veq.f32 v12, v4;
	vm3 =	vgt.f32 v14, v4;
	vm5 =	veq.f32 v15, v4  }
0xee: {  	s28 =	sadd.s32 $0x80, s28;
	vm4 =	vgt.f32 v15, v4;
	v7 =	vsel vm5, $0x1, v0;
	vm5 =	veq.f32 v14, v4  }
0xef: {  	v7 =	vsel vm4, $0x10000, v7;
	v8 =	vsel vm5, $0x1, v0;
	vm4 =	veq.f32 v6, v4  }
0xf0: {  	v5 =	vadd.s32 v5, v7;
	v6 =	vsel vm3, $0x10000, v8;
	v7 =	vsel vm4, $0x1, v0  }
0xf1: {  	v5 =	vadd.s32 v6, v5;
	v6 =	vsel vm15, $0x10000, v7;
	v7 =	vsel vm2, $0x1, v0  }
0xf2: {  	v5 =	vadd.s32 v6, v5;
	v6 =	vsel vm13, $0x10000, v7;
	v7 =	vsel vm14, $0x1, v0  }
0xf3: {  	v5 =	vadd.s32 v6, v5;
	v6 =	vsel vm11, $0x10000, v7;
	v7 =	vsel vm12, $0x1, v0  }
0xf4: {  	v5 =	vadd.s32 v6, v5;
	v6 =	vsel vm9, $0x10000, v7;
	v7 =	vsel vm10, $0x1, v0  }
0xf5: {  	v5 =	vadd.s32 v6, v5;
	v6 =	vsel vm7, $0x10000, v7;
	v7 =	vsel vm8, $0x1, v0  }
0xf6: {  	v5 =	vadd.s32 v6, v5;
	v6 =	vsel vm6, $0x10000, v7  }
0xf7: {  	v5 =	vadd.s32 v6, v5  }
0xf8: {  	(xrf0) =	vadd.scan.msk.s32 $0xffff, v5;
	_ =	sdelay $0x5  }
0xf9: {  	v6, _, _ =	vpop (xrf0)  }
0xfa: {  	(v2sf) =	vpush v6, $0xF;
	_ =	sdelay $0xe  }
0xfb: {  	s2 =	spop (v2sf)  }
0xfc: {  	p1 =	sgt.u32 s0, $0x6;
	s28 =	sshra.s32 s2, $0x10  }
0xfd: {  	p2 =	slt.s32 @!p1 s28, $0x5  }
0xfe: {  	p1 =	por p1, !p2  }
.Ltmp11:
0xff: {  	_ = 	snop;
	(pc) =	sbr.rel @!p1 .LBB2_15-.Ltmp11, $2  }
0x100: {  	_ =	sdelay $0x2  }
0x101: {  	s0 =	sadd.s32 $0x1, s0  }
0x102: {  	s0 =	sand.u32 $0xFFFF, s2  }
0x103: {  	p1 =	seq.s32 s0, $0x1  }
0x104: {  	p2 =	sgt.s32 @!p1 s28, $0x4  }
0x105: {  	p2 =	por p1, p2  }
.Ltmp12:
0x106: {  	_ = 	snop;
	(pc) =	sbr.rel @p2 .LBB2_19-.Ltmp12, $1  }
0x107: {  	_ =	sdelay $0x3  }
0x108: {  	v6 =	vmov s30;
	v5 =	vimm.s32 $0x0;
	s0 =	simm.s32 $0x0;
	s2 =	simm.s32 $0x0  }
.LBB2_21:
0x109: {  	s8 =	sshll.u32 s2, $0xF  }
0x10a: {  	s8 =	sadd.s32 s10, s8  }
0x10b: {  	s8 =	sshrl.u32 s8, $0x3  }
0x10c: {  	s8 =	sadd.s32 s1, s8  }
0x10d: {  	[tilespmem:s21], [sflag:$0x2] =	stream.strided.gather [hbm4b:s8+s18], $0x1000, s20, s18, $0x38;
	[tilespmem:$0x1180] =	vst v63  }
0x10e: {  	_ =	swait.ge [sflag:s19], $0x1000  }
0x10f: {  	[sflag:s19] =	ssyncset.done $0x0  }
0x110: {  	s22 =	simm.s32 $0x0;
	[sflag:s19] =	ssyncadd.s32 $0xFFFFF000  }
0x111: {  	v7 =	vld [tilespmem:s22+$0x100];
	_ =	sdelay $0x3  }
0x112: {  	v8 =	vor.u32 s0, v1;
	s29 =	smov.u32 s0;
	s8 =	simm.s32 $0x40  }
.LBB2_22:
0x113: {  	s22 =	sshra.s32 s8, $0x2;
	p1 =	sne.s32 s8, $0x3FC0;
	s8 =	sadd.s32 $0x40, s8;
	vm2 =	veq.f32 v7, v4;
	vm3 =	vlt.s32 v8, v6  }
.Ltmp13:
0x114: {  	v7 =	vld [tilespmem:s22+$0x100];
	vm2 =	vmand vm3, vm2;
	(pc) =	sbr.rel @p1 .LBB2_22-.Ltmp13, $4  }
0x115: {  	v8 =	vsel vm2, $0x1, v0  }
0x116: {  	v5 =	vadd.s32 v8, v5  }
0x117: {  	s29 =	sadd.s32 $0x10, s29  }
0x118: {  	v8 =	vor.u32 s29, v1  }
0x119: {  	s2 =	sadd.s32 $0x1, s2  }
0x11a: {  	p1 =	sne.s32 s2, $0x8  }
.Ltmp14:
0x11b: {  	_ = 	snop;
	(pc) =	sbr.rel @p1 .LBB2_21-.Ltmp14, $4  }
0x11c: {  	vm2 =	veq.f32 v7, v4;
	vm3 =	vlt.s32 v8, v6  }
0x11d: {  	vm2 =	vmand vm3, vm2  }
0x11e: {  	v7 =	vsel vm2, $0x1, v0  }
0x11f: {  	s0 =	sadd.s32 $0x1000, s0;
	v5 =	vadd.s32 v7, v5  }
0x120: {  	(xrf0) =	vadd.scan.msk.s32 $0xffff, v5;
	_ =	sdelay $0x5  }
0x121: {  	v4, _, _ =	vpop (xrf0)  }
0x122: {  	(v2sf) =	vpush v4, $0xF;
	_ =	sdelay $0xa  }
.Ltmp15:
0x123: {  	_ = 	snop;
	(pc) =	sbr.rel .LBB2_25-.Ltmp15, $2  }
0x124: {  	_ =	sdelay $0x2  }
0x125: {  	s29 =	spop (v2sf)  }
.LBB2_19:
0x126: {  	s29 =	simm.s32 $0x0  }
0x127: {  	s28 =	smov.u32 @p1 s28;
	s29 =	simm.s32 @p1 $0x0  }
.LBB2_25:
0x128: {  	vm2 =	vcmask $0x70C  }
0x129: {  	v4 =	vsel vm2, $0xFFFFFFFF, v3  }
0x12a: {  	v4 =	vxor.u32 $0x80000000, v4  }
0x12b: {  	(xrf0) =	vmax.scan.msk.u32 $0xffff, v4;
	_ =	sdelay $0x5  }
0x12c: {  	v4, _, _ =	vpop (xrf0)  }
0x12d: {  	(v2sf) =	vpush v4, $0xF;
	_ =	sdelay $0xe  }
0x12e: {  	s0 =	spop (v2sf)  }
0x12f: {  	s31 =	sxor.u32 $0x80000000, s0  }
0x130: {  	p1 =	sgt.s32 s0, $0xFFFFFFFF;
	s0 =	sand.u32 $0xF, s0;
	p2 =	slt.s32 s31, $0x1  }
0x131: {  	s2 =	sshra.s32 s31, $0x1F;
	p6 =	sne.s32 s0, $0x0;
	p1 =	por p1, p2  }
0x132: {  	s30 =	sshrl.u32 s2, $0x1C;
	p1 =	por !p6, !p1  }
0x133: {  	s2 =	simm.s32 $0x1;
	s0 =	sadd.s32 s30, s31;
	p1 =	por !p1, !p1  }
0x134: {  	s0 =	sshra.s32 s0, $0x4;
	s2 =	simm.s32 @!p1 $0x0  }
0x135: {  	s0 =	ssub.s32 s0, s2  }
0x136: {  	s2 =	sshll.u32 s0, $0x7  }
0x137: {  	s0 =	sshll.u32 s0, $0x4;
	s2 =	sand.u32 $0xFFFFFC00, s2  }
0x138: {  	s8 =	sand.u32 $0x70, s0;
	s2 =	sadd.s32 s5, s2  }
0x139: {  	s2 =	sor.u32 s8, s2  }
0x13a: {  	s2 =	sor.u32 s11, s2  }
0x13b: {  	s2 =	sshrl.u32 s2, $0x3  }
0x13c: {  	s2 =	sadd.s32 s1, s2  }
0x13d: {  	[tilespmem:s18], [sflag:$0x2] =	stream.linear.gather [hbm4b:s2+s26], $0x10, $0x38;
	[tilespmem:$0x1180] =	vst v63  }
0x13e: {  	_ =	swait.ge [sflag:s19], $0x10  }
0x13f: {  	[sflag:s19] =	ssyncset.done $0x0  }
0x140: {  	[sflag:s19] =	ssyncadd.s32 $0xFFFFFFF0  }
0x141: {  	v4 =	vld [tilespmem:$0x80];
	_ =	sdelay $0x1  }
0x142: {  	s0 =	ssub.s32 s31, s0  }
0x143: {  	v5 =	vmov s0  }
0x144: {  	vm2 =	veq.s32 v5, v1  }
0x145: {  	v4 =	vnsel vm2, $0xFF800000, v4  }
0x146: {  	(xrf0) =	vmax.scan.msk.f32 $0xffff, v4;
	_ =	sdelay $0x1  }
.Ltmp16:
0x147: {  	_ = 	snop;
	(pc) =	sbr.rel @p0 .LBB2_26-.Ltmp16, $2  }
0x148: {  	_ =	sdelay $0x2  }
0x149: {  	v4, _, _ =	vpop (xrf0)  }
0x14a: {  	v4 =	vbroadcast v4, $0xF  }
0x14b: {  	v5 =	vimm.s32 $0x0  }
.LBB2_28:
0x14c: {  	s0 =	sshll.u32 s26, $0xF  }
0x14d: {  	s0 =	sadd.s32 s13, s0  }
0x14e: {  	s0 =	sshrl.u32 s0, $0x3  }
0x14f: {  	s0 =	sadd.s32 s1, s0  }
0x150: {  	[tilespmem:s21], [sflag:$0x2] =	stream.strided.gather [hbm4b:s0+s18], $0x1000, s20, s18, $0x38;
	[tilespmem:$0x1180] =	vst v63  }
0x151: {  	_ =	swait.ge [sflag:s19], $0x1000  }
0x152: {  	[sflag:s19] =	ssyncset.done $0x0  }
0x153: {  	s30 =	simm.s32 $0x140;
	[sflag:s19] =	ssyncadd.s32 $0xFFFFF000  }
0x154: {  	v7 =	vld [tilespmem:s30+$0x30]  }
0x155: {  	v8 =	vld [tilespmem:s30+$0x20]  }
0x156: {  	v9 =	vld [tilespmem:s30+$0x10]  }
0x157: {  	v10 =	vld [tilespmem:s30+$0x0]  }
0x158: {  	v11 =	vld [tilespmem:s30+$0xFFFFFFF0]  }
0x159: {  	v6 =	vld [tilespmem:s30+$0xFFFFFFE0]  }
0x15a: {  	v12 =	vld [tilespmem:s30+$0xFFFFFFD0]  }
0x15b: {  	v13 =	vld [tilespmem:s30+$0xFFFFFFC0]  }
0x15c: {  	vm6 =	vgt.f32 v7, v4  }
0x15d: {  	vm9 =	vgt.f32 v9, v4;
	vm7 =	vgt.f32 v8, v4;
	vm8 =	veq.f32 v7, v4  }
0x15e: {  	vm11 =	vgt.f32 v10, v4;
	vm12 =	veq.f32 v9, v4;
	vm10 =	veq.f32 v8, v4  }
0x15f: {  	vm15 =	vgt.f32 v6, v4;
	vm13 =	vgt.f32 v11, v4;
	vm14 =	veq.f32 v10, v4  }
0x160: {  	vm5 =	veq.f32 v13, v4;
	vm3 =	vgt.f32 v12, v4;
	vm2 =	veq.f32 v11, v4  }
0x161: {  	s8 =	simm.s32 $0x1C0;
	s0 =	simm.s32 $0x0;
	vm4 =	vgt.f32 v13, v4;
	v7 =	vsel vm5, $0x1, v0;
	vm5 =	veq.f32 v12, v4  }
.LBB2_29:
0x162: {  	v8 =	vld [tilespmem:s8+$0x30];
	v7 =	vsel vm4, $0x10000, v7;
	v9 =	vsel vm5, $0x1, v0;
	vm4 =	veq.f32 v6, v4  }
0x163: {  	v10 =	vld [tilespmem:s8+$0x20];
	v5 =	vadd.s32 v5, v7;
	v6 =	vsel vm3, $0x10000, v9;
	v7 =	vsel vm4, $0x1, v0  }
0x164: {  	v9 =	vld [tilespmem:s8+$0x10];
	v5 =	vadd.s32 v6, v5;
	v6 =	vsel vm15, $0x10000, v7;
	v7 =	vsel vm2, $0x1, v0  }
0x165: {  	v11 =	vld [tilespmem:s8+$0x0];
	v5 =	vadd.s32 v6, v5;
	v6 =	vsel vm13, $0x10000, v7;
	v7 =	vsel vm14, $0x1, v0  }
0x166: {  	v13 =	vsel vm12, $0x1, v0;
	v12 =	vld [tilespmem:s8+$0xFFFFFFF0];
	v5 =	vadd.s32 v6, v5;
	v7 =	vsel vm11, $0x10000, v7  }
0x167: {  	v6 =	vld [tilespmem:s8+$0xFFFFFFE0];
	v5 =	vadd.s32 v7, v5;
	v7 =	vsel vm9, $0x10000, v13;
	v13 =	vsel vm10, $0x1, v0  }
0x168: {  	v14 =	vld [tilespmem:s8+$0xFFFFFFD0];
	v5 =	vadd.s32 v7, v5;
	v7 =	vsel vm7, $0x10000, v13;
	v13 =	vsel vm8, $0x1, v0  }
0x169: {  	s0 =	sadd.s32 $0x8, s0;
	v15 =	vld [tilespmem:s8+$0xFFFFFFC0];
	v5 =	vadd.s32 v7, v5;
	v7 =	vsel vm6, $0x10000, v13  }
0x16a: {  	p1 =	slt.u32 s0, $0xF8;
	vm6 =	vgt.f32 v8, v4;
	v5 =	vadd.s32 v7, v5  }
.Ltmp17:
0x16b: {  	vm7 =	vgt.f32 v10, v4;
	vm8 =	veq.f32 v8, v4;
	vm9 =	vgt.f32 v9, v4;
	(pc) =	sbr.rel @p1 .LBB2_29-.Ltmp17, $4  }
0x16c: {  	vm10 =	veq.f32 v10, v4;
	vm12 =	veq.f32 v9, v4;
	vm11 =	vgt.f32 v11, v4  }
0x16d: {  	vm14 =	veq.f32 v11, v4;
	vm13 =	vgt.f32 v12, v4;
	vm15 =	vgt.f32 v6, v4  }
0x16e: {  	vm2 =	veq.f32 v12, v4;
	vm3 =	vgt.f32 v14, v4;
	vm5 =	veq.f32 v15, v4  }
0x16f: {  	s8 =	sadd.s32 $0x80, s8;
	vm4 =	vgt.f32 v15, v4;
	v7 =	vsel vm5, $0x1, v0;
	vm5 =	veq.f32 v14, v4  }
0x170: {  	v7 =	vsel vm4, $0x10000, v7;
	v8 =	vsel vm5, $0x1, v0;
	vm4 =	veq.f32 v6, v4  }
0x171: {  	v5 =	vadd.s32 v5, v7;
	v6 =	vsel vm3, $0x10000, v8;
	v7 =	vsel vm4, $0x1, v0  }
0x172: {  	v5 =	vadd.s32 v6, v5;
	v6 =	vsel vm15, $0x10000, v7;
	v7 =	vsel vm2, $0x1, v0  }
0x173: {  	v5 =	vadd.s32 v6, v5;
	v6 =	vsel vm13, $0x10000, v7;
	v7 =	vsel vm14, $0x1, v0  }
0x174: {  	v5 =	vadd.s32 v6, v5;
	v6 =	vsel vm11, $0x10000, v7;
	v7 =	vsel vm12, $0x1, v0  }
0x175: {  	v5 =	vadd.s32 v6, v5;
	v6 =	vsel vm9, $0x10000, v7;
	v7 =	vsel vm10, $0x1, v0  }
0x176: {  	v5 =	vadd.s32 v6, v5;
	v6 =	vsel vm7, $0x10000, v7;
	v7 =	vsel vm8, $0x1, v0  }
0x177: {  	v5 =	vadd.s32 v6, v5;
	v6 =	vsel vm6, $0x10000, v7  }
0x178: {  	v5 =	vadd.s32 v6, v5  }
0x179: {  	(xrf0) =	vadd.scan.msk.s32 $0xffff, v5;
	_ =	sdelay $0x5  }
0x17a: {  	v6, _, _ =	vpop (xrf0)  }
0x17b: {  	(v2sf) =	vpush v6, $0xF;
	_ =	sdelay $0xe  }
0x17c: {  	s0 =	spop (v2sf)  }
0x17d: {  	p1 =	sgt.u32 s26, $0x6;
	s30 =	sshra.s32 s0, $0x10  }
0x17e: {  	p2 =	slt.s32 @!p1 s30, $0x5  }
0x17f: {  	p1 =	por p1, !p2  }
.Ltmp18:
0x180: {  	_ = 	snop;
	(pc) =	sbr.rel @!p1 .LBB2_28-.Ltmp18, $2  }
0x181: {  	_ =	sdelay $0x2  }
0x182: {  	s26 =	sadd.s32 $0x1, s26  }
0x183: {  	s0 =	sand.u32 $0xFFFF, s0  }
0x184: {  	p1 =	seq.s32 s0, $0x1  }
0x185: {  	p2 =	sgt.s32 @!p1 s30, $0x4  }
0x186: {  	p2 =	por p1, p2  }
.Ltmp19:
0x187: {  	_ = 	snop;
	(pc) =	sbr.rel @p2 .LBB2_32-.Ltmp19, $1  }
0x188: {  	_ =	sdelay $0x3  }
0x189: {  	v6 =	vmov s31;
	v5 =	vimm.s32 $0x0;
	s0 =	simm.s32 $0x0;
	s2 =	simm.s32 $0x0  }
.LBB2_34:
0x18a: {  	s8 =	sshll.u32 s2, $0xF  }
0x18b: {  	s8 =	sadd.s32 s13, s8  }
0x18c: {  	s8 =	sshrl.u32 s8, $0x3  }
0x18d: {  	s8 =	sadd.s32 s1, s8  }
0x18e: {  	[tilespmem:s21], [sflag:$0x2] =	stream.strided.gather [hbm4b:s8+s18], $0x1000, s20, s18, $0x38;
	[tilespmem:$0x1180] =	vst v63  }
0x18f: {  	_ =	swait.ge [sflag:s19], $0x1000  }
0x190: {  	[sflag:s19] =	ssyncset.done $0x0  }
0x191: {  	s22 =	simm.s32 $0x0;
	[sflag:s19] =	ssyncadd.s32 $0xFFFFF000  }
0x192: {  	v7 =	vld [tilespmem:s22+$0x100];
	_ =	sdelay $0x3  }
0x193: {  	v8 =	vor.u32 s0, v1;
	s26 =	smov.u32 s0;
	s8 =	simm.s32 $0x40  }
.LBB2_35:
0x194: {  	s22 =	sshra.s32 s8, $0x2;
	p1 =	sne.s32 s8, $0x3FC0;
	s8 =	sadd.s32 $0x40, s8;
	vm2 =	veq.f32 v7, v4;
	vm3 =	vlt.s32 v8, v6  }
.Ltmp20:
0x195: {  	v7 =	vld [tilespmem:s22+$0x100];
	vm2 =	vmand vm3, vm2;
	(pc) =	sbr.rel @p1 .LBB2_35-.Ltmp20, $4  }
0x196: {  	v8 =	vsel vm2, $0x1, v0  }
0x197: {  	v5 =	vadd.s32 v8, v5  }
0x198: {  	s26 =	sadd.s32 $0x10, s26  }
0x199: {  	v8 =	vor.u32 s26, v1  }
0x19a: {  	s2 =	sadd.s32 $0x1, s2  }
0x19b: {  	p1 =	sne.s32 s2, $0x8  }
.Ltmp21:
0x19c: {  	_ = 	snop;
	(pc) =	sbr.rel @p1 .LBB2_34-.Ltmp21, $4  }
0x19d: {  	vm2 =	veq.f32 v7, v4;
	vm3 =	vlt.s32 v8, v6  }
0x19e: {  	vm2 =	vmand vm3, vm2  }
0x19f: {  	v7 =	vsel vm2, $0x1, v0  }
0x1a0: {  	s0 =	sadd.s32 $0x1000, s0;
	v5 =	vadd.s32 v7, v5  }
0x1a1: {  	(xrf0) =	vadd.scan.msk.s32 $0xffff, v5;
	_ =	sdelay $0x5  }
0x1a2: {  	v4, _, _ =	vpop (xrf0)  }
0x1a3: {  	(v2sf) =	vpush v4, $0xF;
	_ =	sdelay $0xa  }
.Ltmp22:
0x1a4: {  	_ = 	snop;
	(pc) =	sbr.rel .LBB2_38-.Ltmp22, $2  }
0x1a5: {  	_ =	sdelay $0x2  }
0x1a6: {  	s26 =	spop (v2sf)  }
.LBB2_26:
.Ltmp23:
0x1a7: {  	(pc) =	sbr.rel .LBB2_38-.Ltmp23, $2  }
0x1a8: {  	_ =	sdelay $0x2  }
0x1a9: {  	s30 =	smov.u32 s4  }
.LBB2_32:
0x1aa: {  	s26 =	simm.s32 $0x0  }
0x1ab: {  	s30 =	smov.u32 @p1 s30;
	s26 =	simm.s32 @p1 $0x0  }
.LBB2_38:
0x1ac: {  	vm2 =	vcmask $0xB10  }
0x1ad: {  	v3 =	vsel vm2, $0xFFFFFFFF, v3  }
0x1ae: {  	v3 =	vxor.u32 $0x80000000, v3  }
0x1af: {  	(xrf0) =	vmax.scan.msk.u32 $0xffff, v3;
	_ =	sdelay $0x5  }
0x1b0: {  	v3, _, _ =	vpop (xrf0)  }
0x1b1: {  	(v2sf) =	vpush v3, $0xF;
	_ =	sdelay $0xe  }
0x1b2: {  	s0 =	spop (v2sf)  }
0x1b3: {  	s31 =	sxor.u32 $0x80000000, s0  }
0x1b4: {  	p1 =	sgt.s32 s0, $0xFFFFFFFF;
	s0 =	sand.u32 $0xF, s0;
	p2 =	slt.s32 s31, $0x1  }
0x1b5: {  	s2 =	sshra.s32 s31, $0x1F;
	p6 =	sne.s32 s0, $0x0;
	p1 =	por p1, p2  }
0x1b6: {  	s8 =	sshrl.u32 s2, $0x1C;
	p1 =	por !p6, !p1  }
0x1b7: {  	s2 =	simm.s32 $0x1;
	s0 =	sadd.s32 s8, s31;
	p1 =	por !p1, !p1  }
0x1b8: {  	s0 =	sshra.s32 s0, $0x4;
	s2 =	simm.s32 @!p1 $0x0  }
0x1b9: {  	s0 =	ssub.s32 s0, s2  }
0x1ba: {  	s2 =	sshll.u32 s0, $0x7  }
0x1bb: {  	s8 =	sshll.u32 s0, $0x4;
	s2 =	sand.u32 $0xFFFFFC00, s2  }
0x1bc: {  	s22 =	sand.u32 $0x70, s8;
	s15 =	sadd.s32 s5, s2  }
0x1bd: {  	s0 =	sor.u32 s22, s15  }
0x1be: {  	s0 =	sor.u32 s12, s0  }
0x1bf: {  	s0 =	sshrl.u32 s0, $0x3  }
0x1c0: {  	s15 =	sadd.s32 s1, s0;
	s0 =	simm.s32 $0x0  }
0x1c1: {  	[tilespmem:s18], [sflag:$0x2] =	stream.linear.gather [hbm4b:s15+s0], $0x10, $0x38;
	[tilespmem:$0x1180] =	vst v63  }
0x1c2: {  	_ =	swait.ge [sflag:s19], $0x10  }
0x1c3: {  	[sflag:s19] =	ssyncset.done $0x0  }
0x1c4: {  	[sflag:s19] =	ssyncadd.s32 $0xFFFFFFF0  }
0x1c5: {  	v3 =	vld [tilespmem:$0x80];
	_ =	sdelay $0x1  }
0x1c6: {  	s22 =	ssub.s32 s31, s8  }
0x1c7: {  	v4 =	vmov s22  }
0x1c8: {  	vm2 =	veq.s32 v4, v1  }
0x1c9: {  	v3 =	vnsel vm2, $0xFF800000, v3  }
0x1ca: {  	(xrf0) =	vmax.scan.msk.f32 $0xffff, v3;
	_ =	sdelay $0x1  }
.Ltmp24:
0x1cb: {  	_ = 	snop;
	(pc) =	sbr.rel @p0 .LBB2_39-.Ltmp24, $2  }
0x1cc: {  	_ =	sdelay $0x2  }
0x1cd: {  	v3, _, _ =	vpop (xrf0)  }
0x1ce: {  	v3 =	vbroadcast v3, $0xF  }
0x1cf: {  	v4 =	vimm.s32 $0x0  }
.LBB2_41:
0x1d0: {  	s2 =	sshll.u32 s0, $0xF  }
0x1d1: {  	s2 =	sadd.s32 s14, s2  }
0x1d2: {  	s2 =	sshrl.u32 s2, $0x3  }
0x1d3: {  	s2 =	sadd.s32 s1, s2  }
0x1d4: {  	[tilespmem:s21], [sflag:$0x2] =	stream.strided.gather [hbm4b:s2+s18], $0x1000, s20, s18, $0x38;
	[tilespmem:$0x1180] =	vst v63  }
0x1d5: {  	_ =	swait.ge [sflag:s19], $0x1000  }
0x1d6: {  	[sflag:s19] =	ssyncset.done $0x0  }
0x1d7: {  	s22 =	simm.s32 $0x140;
	[sflag:s19] =	ssyncadd.s32 $0xFFFFF000  }
0x1d8: {  	v6 =	vld [tilespmem:s22+$0x30]  }
0x1d9: {  	v7 =	vld [tilespmem:s22+$0x20]  }
0x1da: {  	v8 =	vld [tilespmem:s22+$0x10]  }
0x1db: {  	v9 =	vld [tilespmem:s22+$0x0]  }
0x1dc: {  	v10 =	vld [tilespmem:s22+$0xFFFFFFF0]  }
0x1dd: {  	v5 =	vld [tilespmem:s22+$0xFFFFFFE0]  }
0x1de: {  	v11 =	vld [tilespmem:s22+$0xFFFFFFD0]  }
0x1df: {  	v12 =	vld [tilespmem:s22+$0xFFFFFFC0]  }
0x1e0: {  	vm6 =	vgt.f32 v6, v3  }
0x1e1: {  	vm9 =	vgt.f32 v8, v3;
	vm7 =	vgt.f32 v7, v3;
	vm8 =	veq.f32 v6, v3  }
0x1e2: {  	vm11 =	vgt.f32 v9, v3;
	vm12 =	veq.f32 v8, v3;
	vm10 =	veq.f32 v7, v3  }
0x1e3: {  	vm15 =	vgt.f32 v5, v3;
	vm13 =	vgt.f32 v10, v3;
	vm14 =	veq.f32 v9, v3  }
0x1e4: {  	vm5 =	veq.f32 v12, v3;
	vm3 =	vgt.f32 v11, v3;
	vm2 =	veq.f32 v10, v3  }
0x1e5: {  	s8 =	simm.s32 $0x0;
	s2 =	simm.s32 $0x1C0;
	vm4 =	vgt.f32 v12, v3;
	v6 =	vsel vm5, $0x1, v0;
	vm5 =	veq.f32 v11, v3  }
.LBB2_42:
0x1e6: {  	v7 =	vld [tilespmem:s2+$0x30];
	v6 =	vsel vm4, $0x10000, v6;
	v8 =	vsel vm5, $0x1, v0;
	vm4 =	veq.f32 v5, v3  }
0x1e7: {  	v9 =	vld [tilespmem:s2+$0x20];
	v4 =	vadd.s32 v4, v6;
	v5 =	vsel vm3, $0x10000, v8;
	v6 =	vsel vm4, $0x1, v0  }
0x1e8: {  	v8 =	vld [tilespmem:s2+$0x10];
	v4 =	vadd.s32 v5, v4;
	v5 =	vsel vm15, $0x10000, v6;
	v6 =	vsel vm2, $0x1, v0  }
0x1e9: {  	v10 =	vld [tilespmem:s2+$0x0];
	v4 =	vadd.s32 v5, v4;
	v5 =	vsel vm13, $0x10000, v6;
	v6 =	vsel vm14, $0x1, v0  }
0x1ea: {  	v12 =	vsel vm12, $0x1, v0;
	v11 =	vld [tilespmem:s2+$0xFFFFFFF0];
	v4 =	vadd.s32 v5, v4;
	v6 =	vsel vm11, $0x10000, v6  }
0x1eb: {  	v5 =	vld [tilespmem:s2+$0xFFFFFFE0];
	v4 =	vadd.s32 v6, v4;
	v6 =	vsel vm9, $0x10000, v12;
	v12 =	vsel vm10, $0x1, v0  }
0x1ec: {  	v13 =	vld [tilespmem:s2+$0xFFFFFFD0];
	v4 =	vadd.s32 v6, v4;
	v6 =	vsel vm7, $0x10000, v12;
	v12 =	vsel vm8, $0x1, v0  }
0x1ed: {  	s8 =	sadd.s32 $0x8, s8;
	v14 =	vld [tilespmem:s2+$0xFFFFFFC0];
	v4 =	vadd.s32 v6, v4;
	v6 =	vsel vm6, $0x10000, v12  }
0x1ee: {  	p1 =	slt.u32 s8, $0xF8;
	vm6 =	vgt.f32 v7, v3;
	v4 =	vadd.s32 v6, v4  }
.Ltmp25:
0x1ef: {  	vm7 =	vgt.f32 v9, v3;
	vm8 =	veq.f32 v7, v3;
	vm9 =	vgt.f32 v8, v3;
	(pc) =	sbr.rel @p1 .LBB2_42-.Ltmp25, $4  }
0x1f0: {  	vm10 =	veq.f32 v9, v3;
	vm12 =	veq.f32 v8, v3;
	vm11 =	vgt.f32 v10, v3  }
0x1f1: {  	vm14 =	veq.f32 v10, v3;
	vm13 =	vgt.f32 v11, v3;
	vm15 =	vgt.f32 v5, v3  }
0x1f2: {  	vm2 =	veq.f32 v11, v3;
	vm3 =	vgt.f32 v13, v3;
	vm5 =	veq.f32 v14, v3  }
0x1f3: {  	s2 =	sadd.s32 $0x80, s2;
	vm4 =	vgt.f32 v14, v3;
	v6 =	vsel vm5, $0x1, v0;
	vm5 =	veq.f32 v13, v3  }
0x1f4: {  	v6 =	vsel vm4, $0x10000, v6;
	v7 =	vsel vm5, $0x1, v0;
	vm4 =	veq.f32 v5, v3  }
0x1f5: {  	v4 =	vadd.s32 v4, v6;
	v5 =	vsel vm3, $0x10000, v7;
	v6 =	vsel vm4, $0x1, v0  }
0x1f6: {  	v4 =	vadd.s32 v5, v4;
	v5 =	vsel vm15, $0x10000, v6;
	v6 =	vsel vm2, $0x1, v0  }
0x1f7: {  	v4 =	vadd.s32 v5, v4;
	v5 =	vsel vm13, $0x10000, v6;
	v6 =	vsel vm14, $0x1, v0  }
0x1f8: {  	v4 =	vadd.s32 v5, v4;
	v5 =	vsel vm11, $0x10000, v6;
	v6 =	vsel vm12, $0x1, v0  }
0x1f9: {  	v4 =	vadd.s32 v5, v4;
	v5 =	vsel vm9, $0x10000, v6;
	v6 =	vsel vm10, $0x1, v0  }
0x1fa: {  	v4 =	vadd.s32 v5, v4;
	v5 =	vsel vm7, $0x10000, v6;
	v6 =	vsel vm8, $0x1, v0  }
0x1fb: {  	v4 =	vadd.s32 v5, v4;
	v5 =	vsel vm6, $0x10000, v6  }
0x1fc: {  	v4 =	vadd.s32 v5, v4  }
0x1fd: {  	(xrf0) =	vadd.scan.msk.s32 $0xffff, v4;
	_ =	sdelay $0x5  }
0x1fe: {  	v5, _, _ =	vpop (xrf0)  }
0x1ff: {  	(v2sf) =	vpush v5, $0xF;
	_ =	sdelay $0xe  }
0x200: {  	s2 =	spop (v2sf)  }
0x201: {  	p1 =	sgt.u32 s0, $0x6;
	s8 =	sshra.s32 s2, $0x10  }
0x202: {  	p2 =	slt.s32 @!p1 s8, $0x5  }
0x203: {  	p1 =	por p1, !p2  }
.Ltmp26:
0x204: {  	_ = 	snop;
	(pc) =	sbr.rel @!p1 .LBB2_41-.Ltmp26, $2  }
0x205: {  	_ =	sdelay $0x2  }
0x206: {  	s0 =	sadd.s32 $0x1, s0  }
0x207: {  	s0 =	sand.u32 $0xFFFF, s2  }
0x208: {  	p1 =	seq.s32 s0, $0x1  }
0x209: {  	p2 =	sgt.s32 @!p1 s8, $0x4  }
0x20a: {  	p2 =	por p1, p2  }
.Ltmp27:
0x20b: {  	_ = 	snop;
	(pc) =	sbr.rel @p2 .LBB2_45-.Ltmp27, $1  }
0x20c: {  	_ =	sdelay $0x3  }
0x20d: {  	v5 =	vmov s31;
	v4 =	vimm.s32 $0x0;
	s22 =	simm.s32 $0x0;
	s2 =	simm.s32 $0x0  }
.LBB2_47:
0x20e: {  	s0 =	sshll.u32 s2, $0xF  }
0x20f: {  	s0 =	sadd.s32 s14, s0  }
0x210: {  	s0 =	sshrl.u32 s0, $0x3  }
0x211: {  	s0 =	sadd.s32 s1, s0  }
0x212: {  	[tilespmem:s21], [sflag:$0x2] =	stream.strided.gather [hbm4b:s0+s18], $0x1000, s20, s18, $0x38;
	[tilespmem:$0x1180] =	vst v63  }
0x213: {  	_ =	swait.ge [sflag:s19], $0x1000  }
0x214: {  	[sflag:s19] =	ssyncset.done $0x0  }
0x215: {  	s15 =	simm.s32 $0x0;
	[sflag:s19] =	ssyncadd.s32 $0xFFFFF000  }
0x216: {  	v6 =	vld [tilespmem:s15+$0x100];
	_ =	sdelay $0x3  }
0x217: {  	s31 =	simm.s32 $0x40;
	v7 =	vor.u32 s22, v1;
	s0 =	smov.u32 s22  }
.LBB2_48:
0x218: {  	s15 =	sshra.s32 s31, $0x2;
	p1 =	sne.s32 s31, $0x3FC0;
	s31 =	sadd.s32 $0x40, s31;
	vm2 =	veq.f32 v6, v3;
	vm3 =	vlt.s32 v7, v5  }
.Ltmp28:
0x219: {  	v6 =	vld [tilespmem:s15+$0x100];
	vm2 =	vmand vm3, vm2;
	(pc) =	sbr.rel @p1 .LBB2_48-.Ltmp28, $4  }
0x21a: {  	v7 =	vsel vm2, $0x1, v0  }
0x21b: {  	v4 =	vadd.s32 v7, v4  }
0x21c: {  	s0 =	sadd.s32 $0x10, s0  }
0x21d: {  	v7 =	vor.u32 s0, v1  }
0x21e: {  	s2 =	sadd.s32 $0x1, s2  }
0x21f: {  	p1 =	sne.s32 s2, $0x8  }
.Ltmp29:
0x220: {  	_ = 	snop;
	(pc) =	sbr.rel @p1 .LBB2_47-.Ltmp29, $4  }
0x221: {  	vm2 =	veq.f32 v6, v3;
	vm3 =	vlt.s32 v7, v5  }
0x222: {  	vm2 =	vmand vm3, vm2  }
0x223: {  	v6 =	vsel vm2, $0x1, v0  }
0x224: {  	s22 =	sadd.s32 $0x1000, s22;
	v4 =	vadd.s32 v6, v4  }
0x225: {  	(xrf0) =	vadd.scan.msk.s32 $0xffff, v4;
	_ =	sdelay $0x5  }
0x226: {  	v3, _, _ =	vpop (xrf0)  }
0x227: {  	(v2sf) =	vpush v3, $0xF;
	_ =	sdelay $0xa  }
.Ltmp30:
0x228: {  	_ = 	snop;
	(pc) =	sbr.rel .LBB2_51-.Ltmp30, $2  }
0x229: {  	_ =	sdelay $0x2  }
0x22a: {  	s0 =	spop (v2sf)  }
.LBB2_45:
.Ltmp31:
0x22b: {  	(pc) =	sbr.rel .LBB2_51-.Ltmp31, $3  }
0x22c: {  	_ =	sdelay $0x1  }
0x22d: {  	s0 =	simm.s32 $0x0  }
0x22e: {  	s8 =	smov.u32 @p1 s8;
	s0 =	simm.s32 @p1 $0x0  }
.LBB2_52:
0x22f: {  	_ =	sfence.sel $0x180000  }
0x230: {  	[bflag:$0x0] =	sbarrier.arrive $0xFFFF  }
0x231: {  	_ =	strace $0x90000047  }
0x232: {  	s0 =	stileid.u32;
	[bflag:$0x2] =	sbarrier.arrive $0xFFFF  }
0x233: {  	p0 =	sne.s32 s0, $0x0;
	s0 =	rddreg [dreg:$0x3]  }
0x234: {  	s0 =	sadd.s32 @!p0 $0x100000, s0  }
0x235: {  	[sflag:s0] =	ssyncadd.tile.s32 @!p0 $0x1;
	_ =	shalt  }
.Lfunc_end2:
_tile_overlayer_lowered:
.L_overlay_start_2:
0x236: {  	(tag) =	ssettag $0x2  }
0x237: {  	s0 =	rddreg [dreg:$0x0];
	s2 =	stileid.u32  }
0x238: {  	s1 =	rddreg [dreg:$0x1];
	p0 =	sne.s32 s2, $0x0  }
0x239: {  	s3 =	rddreg [dreg:$0x2];
	[bflag:$0x3] =	sbarrier.arrive $0xFFFF;
	s2 =	simm.s32 @!p0 $0x1C02  }
0x23a: {  	[timem:s3], [sflag:s2] =	dma.local @!p0 [hbm:s0], s1  }
0x23b: {  	s0 =	simm.s32 @!p0 $0x2  }
0x23c: {  	_ =	swait.ge @!p0 [sflag:s0], s1  }
0x23d: {  	s1 =	ssub.s32 @!p0 $0x0, s1;
	[sflag:s0] =	ssyncset.done @!p0 $0x0  }
0x23e: {  	[sflag:s0] =	ssyncadd.s32 @!p0 s1  }
0x23f: {  	[bflag:$0x3] =	sbarrier.arrive $0xFFFF  }
0x240: {  	_ =	shalt  }

</sc_bundles>
